<compile_context>
chip_gen: v7x
topology: tpu7x:2x2x1
jax: 0.10.2.dev20260603
libtpu: 0.0.44.dev20260713+nightly
codegen_flags: <defaults>
</compile_context>

<pallas_src>
import functools

import jax
import jax.numpy as jnp
from jax import lax
from jax.experimental import pallas as pl
from jax.experimental.pallas import tpu as pltpu
from jax.experimental.pallas import tpu_sc as plsc



def _cosim_kernel(q_ref, p_ref, n_ref, on_ref, cp_ref, cn_ref):
    eps = 1e-12
    q = q_ref[0]
    on = on_ref[0]
    qv = q - on
    qn = qv / jnp.maximum(
        jnp.sqrt(jnp.sum(qv * qv, axis=1, keepdims=True)), eps)
    pv = p_ref[0] - on
    pn = pv / jnp.maximum(
        jnp.sqrt(jnp.sum(pv * pv, axis=1, keepdims=True)), eps)
    nv = n_ref[0] - on
    nn_ = nv / jnp.maximum(
        jnp.sqrt(jnp.sum(nv * nv, axis=1, keepdims=True)), eps)
    dims = (((1,), (1,)), ((), ()))
    cp_ref[...] = 2.0 - 2.0 * lax.dot_general(
        qn, pn, dims, preferred_element_type=jnp.float32)
    cn_ref[...] = 2.0 - 2.0 * lax.dot_general(
        qn, nn_, dims, preferred_element_type=jnp.float32)


def _cosim(query, positive, negative, other_neg):
    B, N, D = query.shape
    RC = 256
    nblk = N // RC
    grid = (B, nblk)
    return pl.pallas_call(
        _cosim_kernel,
        grid=grid,
        in_specs=[
            pl.BlockSpec((1, RC, D), lambda b, r: (b, r, 0)),
            pl.BlockSpec((1, N, D), lambda b, r: (b, 0, 0)),
            pl.BlockSpec((1, N, D), lambda b, r: (b, 0, 0)),
            pl.BlockSpec((1, 1, D), lambda b, r: (b, 0, 0)),
        ],
        out_specs=[
            pl.BlockSpec((RC, N), lambda b, r, nblk=nblk: (b * nblk + r, 0)),
            pl.BlockSpec((RC, N), lambda b, r, nblk=nblk: (b * nblk + r, 0)),
        ],
        out_shape=[
            jax.ShapeDtypeStruct((B * N, N), jnp.float32),
            jax.ShapeDtypeStruct((B * N, N), jnp.float32),
        ],
    )(query, positive, negative, other_neg)



_V = 16


def _mkey(x):
    bi = lax.bitcast_convert_type(x, jnp.int32)
    sgn = lax.shift_right_arithmetic(bi, 31)
    sgnu = lax.bitcast_convert_type(sgn, jnp.uint32)
    xu = lax.bitcast_convert_type(x, jnp.uint32)
    return xu ^ (sgnu | jnp.uint32(0x80000000))


def _splat(x, dtype=None):
    v = jnp.full((_V,), x)
    return v if dtype is None else v.astype(dtype)


def _perm(v, idx):
    dnums = lax.GatherDimensionNumbers(
        offset_dims=(), collapsed_slice_dims=(0,), start_index_map=(0,))
    return lax.gather(
        v, idx.reshape(_V, 1), dnums, (1,),
        mode=lax.GatherScatterMode.PROMISE_IN_BOUNDS)


def _lane():
    return lax.broadcasted_iota(jnp.int32, (_V,), 0)


def _allreduce(v, op):
    lane = _lane()
    for step in (8, 4, 2, 1):
        v = op(v, _perm(v, lane ^ step))
    return v


def _occurrence(d1):
    lane = _lane()
    occ = jnp.zeros((_V,), jnp.int32)
    one = jnp.ones((_V,), jnp.int32)
    zero = jnp.zeros((_V,), jnp.int32)
    for s in range(1, _V):
        g = _perm(d1, jnp.maximum(lane - s, 0))
        eq = (g == d1) & (lane >= s)
        occ = occ + jnp.where(eq, one, zero)
    return occ


def _occ_rev(d1):
    lane = _lane()
    occ = jnp.zeros((_V,), jnp.int32)
    one = jnp.ones((_V,), jnp.int32)
    zero = jnp.zeros((_V,), jnp.int32)
    for s in range(1, _V):
        g = _perm(d1, jnp.minimum(lane + s, _V - 1))
        eq = (g == d1) & (lane <= _V - 1 - s)
        occ = occ + jnp.where(eq, one, zero)
    return occ


def _prefix_sum(v):
    lane = _lane()
    zero = jnp.zeros((_V,), v.dtype)
    for step in (1, 2, 4, 8):
        g = _perm(v, jnp.maximum(lane - step, 0))
        v = v + jnp.where(lane >= step, g, zero)
    return v


def _make_sc_count(BN, N, RPW):
    VN = N // _V
    NB = 2 * N
    VB = NB // _V
    mesh = plsc.VectorSubcoreMesh(core_axis_name="c", subcore_axis_name="s")

    @functools.partial(
        pl.kernel, mesh=mesh,
        compiler_params=pltpu.CompilerParams(needs_layout_passes=False),
        out_type=jax.ShapeDtypeStruct((BN,), jnp.float32),
        scratch_types=[
            pltpu.VMEM((N,), jnp.float32),
            pltpu.VMEM((N,), jnp.float32),
            pltpu.VMEM((N,), jnp.int32),
            pltpu.VMEM((N,), jnp.int32),
            pltpu.VMEM((N,), jnp.int32),
            pltpu.VMEM((2 * N,), jnp.int32),
            pltpu.VMEM((2 * N,), jnp.int32),
            pltpu.VMEM((2 * N,), jnp.int32),
            pltpu.VMEM((N,), jnp.int32),
            pltpu.VMEM((RPW,), jnp.float32),
            pltpu.VMEM((_V,), jnp.int32),
        ],
    )
    def sc_count(cp_hbm, cn_hbm, out_hbm, bufP, bufG, keyG, d1G, occG,
                 ctr, ctr2, excl, sortedG, outv, tmpv):
        nc = 2
        wid = lax.axis_index("s") * nc + lax.axis_index("c")
        base_row = wid * RPW
        lane = lax.broadcasted_iota(jnp.int32, (_V,), 0)

        def row_body(r, _):
            row = base_row + r
            pltpu.sync_copy(cp_hbm.at[row], bufP)
            pltpu.sync_copy(cn_hbm.at[row], bufG)

            def mm(v, c):
                mn, mx = c
                for u in range(2):
                    sl = pl.ds((v * 2 + u) * _V, _V)
                    a = bufP[sl]
                    b = bufG[sl]
                    mn = jnp.minimum(jnp.minimum(mn, a), b)
                    mx = jnp.maximum(jnp.maximum(mx, a), b)
                return (mn, mx)

            mnv, mxv = lax.fori_loop(
                0, VN // 2, mm,
                (_splat(jnp.float32(jnp.inf)), _splat(-jnp.float32(jnp.inf))))
            mn_v = _mkey(_splat(jnp.min(mnv)))
            mx_v = _mkey(_splat(jnp.max(mxv)))

            rng = (mx_v - mn_v).astype(jnp.float32)
            ebits = lax.shift_right_logical(
                lax.bitcast_convert_type(rng, jnp.int32), 23) & 255
            sh_v = jnp.maximum(ebits - 126 - 12, 0).astype(jnp.uint32)

            def dig(k):
                return lax.shift_right_logical(k - mn_v, sh_v).astype(
                    jnp.int32)

            def zz(v, _c):
                for u in range(2):
                    sl = pl.ds((v * 2 + u) * _V, _V)
                    ctr[sl] = jnp.zeros((_V,), jnp.int32)
                    ctr2[sl] = jnp.zeros((_V,), jnp.int32)
                return 0

            lax.fori_loop(0, VB // 2, zz, 0)

            def pa(v, _c):
                for u in range(2):
                    sl = pl.ds((v * 2 + u) * _V, _V)
                    k = _mkey(bufG[sl])
                    d1 = dig(k)
                    keyG[sl] = lax.bitcast_convert_type(k, jnp.int32)
                    d1G[sl] = d1
                    occ1, lastm = plsc.scan_count(d1)
                    occ = occ1 - 1
                    occG[sl] = occ + jnp.where(lastm, 256, 0)
                    b0 = plsc.load_gather(ctr, [d1])
                    plsc.store_scatter(ctr, [d1], b0 + occ + 1, mask=lastm)
                return 0

            lax.fori_loop(0, VN // 2, pa, 0)

            def cs(v, carry):
                for u in range(2):
                    sl = pl.ds((v * 2 + u) * _V, _V)
                    hv = ctr[sl]
                    inc = plsc.cumsum(hv)
                    excl[sl] = inc - hv + carry
                    carry = carry + _splat(jnp.sum(hv))
                return carry

            lax.fori_loop(0, VB // 2, cs, jnp.zeros((_V,), jnp.int32))

            def pb(v, _c):
                for u in range(2):
                    sl = pl.ds((v * 2 + u) * _V, _V)
                    d1 = d1G[sl]
                    ov = occG[sl]
                    occ = ov & 255
                    lastm = ov >= 256
                    k = keyG[sl]
                    b0 = plsc.load_gather(ctr2, [d1])
                    e0 = plsc.load_gather(excl, [d1])
                    plsc.store_scatter(sortedG, [e0 + b0 + occ], k)
                    plsc.store_scatter(ctr2, [d1], b0 + occ + 1, mask=lastm)
                return 0

            lax.fori_loop(0, VN // 2, pb, 0)

            def pc(v, acc):
                sl = pl.ds(v * _V, _V)
                k = _mkey(bufP[sl])
                d1 = dig(k)
                e0 = plsc.load_gather(excl, [d1])
                cnt = plsc.load_gather(ctr, [d1])
                acc = acc + e0
                tmax = jnp.max(cnt)
                cm1 = jnp.maximum(cnt - 1, 0)

                def rb(t, a2):
                    for u in range(2):
                        tv = _splat(t * 2 + u)
                        g = plsc.load_gather(
                            sortedG, [e0 + jnp.minimum(tv, cm1)])
                        gu = lax.bitcast_convert_type(g, jnp.uint32)
                        hit = (gu < k) & (tv < cnt)
                        a2 = a2 + jnp.where(hit, 1, 0).astype(jnp.int32)
                    return a2

                acc = acc + lax.fori_loop(
                    0, (tmax + 1) // 2, rb, jnp.zeros((_V,), jnp.int32))
                return acc

            accv = lax.fori_loop(0, VN, pc, jnp.zeros((_V,), jnp.int32))
            u1v = _splat(jnp.sum(accv)).astype(jnp.float32)
            plsc.store_scatter(outv, [_splat(r).astype(jnp.int32)],
                               u1v, mask=lane == 0)
            return 0

        lax.fori_loop(0, RPW, row_body, 0)
        pltpu.sync_copy(outv, out_hbm.at[pl.ds(base_row, RPW)])

    return sc_count



def kernel(query, positive, negative, other_neg):
    B, N, D = query.shape
    BN = B * N
    cpos, cneg = _cosim(query, positive, negative, other_neg)
    RPW = BN // 32
    u1 = _make_sc_count(BN, N, RPW)(cpos, cneg)
    u1 = u1.reshape(B, N)

    n1 = n2 = float(N)
    mu = n1 * n2 / 2.0
    sigma = jnp.sqrt(n1 * n2 * (n1 + n2 + 1.0) / 12.0)
    u2 = n1 * n2 - u1
    z1 = (u1 - mu) / sigma
    z2 = (u2 - mu) / sigma
    inv_sqrt2 = 1.0 / jnp.sqrt(jnp.float32(2.0))
    p1 = 0.5 * (1.0 + jax.scipy.special.erf(z1 * inv_sqrt2))
    p2 = 0.5 * (1.0 + jax.scipy.special.erf(z2 * inv_sqrt2))
    loss = jnp.maximum(1.0 - p2 - 0.05, 0.0) + jnp.maximum(p1 - 0.05, 0.0)
    return jnp.mean(loss)

# --- scband reference (transcript-rebuilt; emitter-appended) ---
"""Pipeline reference for scband-mwuangular-loss-49898930045191 (READ-ONLY COPY).

The authoritative reference and input builder live on the scoring server;
editing this copy changes nothing except your own understanding.
"""

import jax, jax.numpy as jnp
import numpy as np


def setup_inputs(seed: int = 0) -> dict:
    key = jax.random.key(seed)
    k1, k2, k3, k4 = jax.random.split(key, 4)
    B, N, D = 4, 2048, 128
    return {
        "query": jax.random.normal(k1, (B, N, D), dtype=jnp.float32),
        "positive": jax.random.normal(k2, (B, N, D), dtype=jnp.float32),
        "negative": jax.random.normal(k3, (B, N, D), dtype=jnp.float32),
        "other_neg": jax.random.normal(k4, (B, 1, D), dtype=jnp.float32),
    }


def _normalize(x):
    # torch F.normalize(p=2, dim=2): x / max(||x||, eps)
    n = jnp.linalg.norm(x, ord=2, axis=2, keepdims=True)
    return x / jnp.maximum(n, 1e-12)


def _compute_cosine_similarity(v1, v2):
    v1n = _normalize(v1)
    v2n = _normalize(v2)
    return 2.0 - 2.0 * jnp.einsum('bnd,bmd->bnm', v1n, v2n)


def _mann_whitney_u(group1, group2):
    combined = jnp.concatenate([group1, group2], axis=-1)
    sorted_indices = jnp.argsort(combined, axis=-1)
    B, N, M = combined.shape
    b_idx = jnp.arange(B)[:, None, None]
    n_idx = jnp.arange(N)[None, :, None]
    vals = jnp.broadcast_to(jnp.arange(1, M + 1, dtype=jnp.float32), combined.shape)
    # scatter: ranks[b, n, sorted_indices[b,n,j]] = j+1
    ranks = jnp.zeros_like(combined).at[b_idx, n_idx, sorted_indices].set(vals)
    n1 = group1.shape[-1]
    n2 = group2.shape[-1]
    ranks1 = ranks[:, :, :n1]
    ranks2 = ranks[:, :, n1:]
    U1 = jnp.sum(ranks1, axis=-1) - n1 * (n1 + 1) / 2.0
    U2 = jnp.sum(ranks2, axis=-1) - n2 * (n2 + 1) / 2.0
    n_tot = float(n1 + n2)
    mu_U = n1 * n2 / 2.0
    sigma_U = jnp.sqrt(n1 * n2 * (n_tot + 1.0) / 12.0)
    z1 = (U1 - mu_U) / sigma_U
    z2 = (U2 - mu_U) / sigma_U
    p1 = 0.5 * (1.0 + jax.scipy.special.erf(z1 / jnp.sqrt(2.0)))
    p2 = 0.5 * (1.0 + jax.scipy.special.erf(z2 / jnp.sqrt(2.0)))
    return p1, p2


def reference(query, positive, negative, other_neg):
    # compute_vec: vec_1 - vec_2 repeated along dim 1 (broadcast)
    q_vec = query - other_neg
    pos_vec = positive - other_neg
    neg_vec = negative - other_neg
    pos_cosim = _compute_cosine_similarity(q_vec, pos_vec)
    neg_cosim = _compute_cosine_similarity(q_vec, neg_vec)
    p1, p2 = _mann_whitney_u(pos_cosim, neg_cosim)
    loss = jnp.maximum(1.0 - p2 - 0.05, 0.0) + jnp.maximum(p1 - 0.05, 0.0)
    return jnp.mean(loss)

if __name__ == "__main__":
    import jax
    _d = setup_inputs()
    print(jax.jit(kernel)(*tuple(_d.values())))

</pallas_src>

<mosaic_0001>
#map = affine_map<(d0, d1) -> (0, 0)>
#map1 = affine_map<(d0, d1) -> (0)>
module attributes {stable_mosaic.version = 14 : i64} {
  func.func @sc_count(%arg0: i32, %arg1: i32, %arg2: memref<8192x2048xf32, #tpu.memory_space<hbm>>, %arg3: memref<8192x2048xf32, #tpu.memory_space<hbm>>, %arg4: memref<8192xf32, #tpu.memory_space<hbm>>, %arg5: memref<2048xf32, #tpu.memory_space<vmem>>, %arg6: memref<2048xf32, #tpu.memory_space<vmem>>, %arg7: memref<2048xi32, #tpu.memory_space<vmem>>, %arg8: memref<2048xi32, #tpu.memory_space<vmem>>, %arg9: memref<2048xi32, #tpu.memory_space<vmem>>, %arg10: memref<4096xi32, #tpu.memory_space<vmem>>, %arg11: memref<4096xi32, #tpu.memory_space<vmem>>, %arg12: memref<4096xi32, #tpu.memory_space<vmem>>, %arg13: memref<2048xi32, #tpu.memory_space<vmem>>, %arg14: memref<256xf32, #tpu.memory_space<vmem>>, %arg15: memref<16xi32, #tpu.memory_space<vmem>>) attributes {dimension_semantics = [#tpu.dimension_semantics<core_parallel>, #tpu.dimension_semantics<subcore_parallel>], iteration_bounds = array<i64: 2, 16>, scalar_prefetch = 0 : i64, scratch_operands = 11 : i64, tpu.core_type = #tpu.core_type<sc_vector_subcore>, window_params = [{transform_indices = #map}, {transform_indices = #map}, {transform_indices = #map1}]} {
    %mul3A = arith.constant 2 : i32
    %mul3A_0 = arith.muli %arg1, %mul3A : i32
    %add3A = arith.addi %mul3A_0, %arg0 : i32
    %mul3A_1 = arith.constant 256 : i32
    %mul3A_2 = arith.muli %add3A, %mul3A_1 : i32
    %iota3A = tpu.iota {dimensions = array<i32: 0>} : vector<16xi32>
    %scan3A = arith.constant 0 : i32
    %scan3A_3 = arith.constant 0 : i32
    %scan3A_4 = arith.constant 256 : i32
    %scan3A_5 = arith.addi %scan3A_3, %scan3A_4 : i32
    %scan3A_6 = arith.constant 1 : i32
    %scan3A_7 = scf.for %scan3A_9 = %scan3A_3 to %scan3A_5 step %scan3A_6 iter_args(%scan3A_10 = %scan3A) -> (i32)  : i32 {
      %add3A_11 = arith.addi %mul3A_2, %scan3A_9 : i32
      "tpu.region"() ({
        %run_scoped3A = tpu.sem_alloc : memref<!tpu.dma_semaphore, #tpu.memory_space<semaphore_mem>>
        %dma_start3A = arith.constant 0 : i32
        %dma_start3A_105 = tpu.memref_slice %arg2[%add3A_11, %dma_start3A] : memref<8192x2048xf32, #tpu.memory_space<hbm>> -> memref<1x2048xf32, #tpu.memory_space<hbm>>
        %dma_start3A_106 = tpu.memref_squeeze %dma_start3A_105 : memref<1x2048xf32, #tpu.memory_space<hbm>> -> memref<2048xf32, #tpu.memory_space<hbm>>
        %dma_start3A_107 = arith.constant 0 : i32
        %dma_start3A_108 = tpu.memref_slice %arg2[%add3A_11, %dma_start3A_107] : memref<8192x2048xf32, #tpu.memory_space<hbm>> -> memref<1x2048xf32, #tpu.memory_space<hbm>>
        %dma_start3A_109 = tpu.memref_squeeze %dma_start3A_108 : memref<1x2048xf32, #tpu.memory_space<hbm>> -> memref<2048xf32, #tpu.memory_space<hbm>>
        tpu.enqueue_dma source(%dma_start3A_109 : memref<2048xf32, #tpu.memory_space<hbm>>) target(%arg5 : memref<2048xf32, #tpu.memory_space<vmem>>) target_semaphore(%run_scoped3A : memref<!tpu.dma_semaphore, #tpu.memory_space<semaphore_mem>>)
        %dma_wait3A = arith.constant 0 : i32
        %dma_wait3A_110 = tpu.memref_slice %arg2[%add3A_11, %dma_wait3A] : memref<8192x2048xf32, #tpu.memory_space<hbm>> -> memref<1x2048xf32, #tpu.memory_space<hbm>>
        %dma_wait3A_111 = tpu.memref_squeeze %dma_wait3A_110 : memref<1x2048xf32, #tpu.memory_space<hbm>> -> memref<2048xf32, #tpu.memory_space<hbm>>
        %dma_wait3A_112 = arith.constant 0 : i32
        %dma_wait3A_113 = tpu.memref_slice %arg2[%add3A_11, %dma_wait3A_112] : memref<8192x2048xf32, #tpu.memory_space<hbm>> -> memref<1x2048xf32, #tpu.memory_space<hbm>>
        %dma_wait3A_114 = tpu.memref_squeeze %dma_wait3A_113 : memref<1x2048xf32, #tpu.memory_space<hbm>> -> memref<2048xf32, #tpu.memory_space<hbm>>
        tpu.wait_dma2 semaphore(%run_scoped3A : memref<!tpu.dma_semaphore, #tpu.memory_space<semaphore_mem>>) src(%dma_wait3A_114 : memref<2048xf32, #tpu.memory_space<hbm>>) dst(%arg5 : memref<2048xf32, #tpu.memory_space<vmem>>)
        tpu.yield
      }) : () -> ()
      "tpu.region"() ({
        %run_scoped3A = tpu.sem_alloc : memref<!tpu.dma_semaphore, #tpu.memory_space<semaphore_mem>>
        %dma_start3A = arith.constant 0 : i32
        %dma_start3A_105 = tpu.memref_slice %arg3[%add3A_11, %dma_start3A] : memref<8192x2048xf32, #tpu.memory_space<hbm>> -> memref<1x2048xf32, #tpu.memory_space<hbm>>
        %dma_start3A_106 = tpu.memref_squeeze %dma_start3A_105 : memref<1x2048xf32, #tpu.memory_space<hbm>> -> memref<2048xf32, #tpu.memory_space<hbm>>
        %dma_start3A_107 = arith.constant 0 : i32
        %dma_start3A_108 = tpu.memref_slice %arg3[%add3A_11, %dma_start3A_107] : memref<8192x2048xf32, #tpu.memory_space<hbm>> -> memref<1x2048xf32, #tpu.memory_space<hbm>>
        %dma_start3A_109 = tpu.memref_squeeze %dma_start3A_108 : memref<1x2048xf32, #tpu.memory_space<hbm>> -> memref<2048xf32, #tpu.memory_space<hbm>>
        tpu.enqueue_dma source(%dma_start3A_109 : memref<2048xf32, #tpu.memory_space<hbm>>) target(%arg6 : memref<2048xf32, #tpu.memory_space<vmem>>) target_semaphore(%run_scoped3A : memref<!tpu.dma_semaphore, #tpu.memory_space<semaphore_mem>>)
        %dma_wait3A = arith.constant 0 : i32
        %dma_wait3A_110 = tpu.memref_slice %arg3[%add3A_11, %dma_wait3A] : memref<8192x2048xf32, #tpu.memory_space<hbm>> -> memref<1x2048xf32, #tpu.memory_space<hbm>>
        %dma_wait3A_111 = tpu.memref_squeeze %dma_wait3A_110 : memref<1x2048xf32, #tpu.memory_space<hbm>> -> memref<2048xf32, #tpu.memory_space<hbm>>
        %dma_wait3A_112 = arith.constant 0 : i32
        %dma_wait3A_113 = tpu.memref_slice %arg3[%add3A_11, %dma_wait3A_112] : memref<8192x2048xf32, #tpu.memory_space<hbm>> -> memref<1x2048xf32, #tpu.memory_space<hbm>>
        %dma_wait3A_114 = tpu.memref_squeeze %dma_wait3A_113 : memref<1x2048xf32, #tpu.memory_space<hbm>> -> memref<2048xf32, #tpu.memory_space<hbm>>
        tpu.wait_dma2 semaphore(%run_scoped3A : memref<!tpu.dma_semaphore, #tpu.memory_space<semaphore_mem>>) src(%dma_wait3A_114 : memref<2048xf32, #tpu.memory_space<hbm>>) dst(%arg6 : memref<2048xf32, #tpu.memory_space<vmem>>)
        tpu.yield
      }) : () -> ()
      %broadcast_in_dim3A = arith.constant 0x7F800000 : f32
      %broadcast_in_dim3A_12 = vector.broadcast %broadcast_in_dim3A : f32 to vector<16xf32>
      %neg3A = arith.constant 0.000000e+00 : f32
      %neg3A_13 = arith.constant 0x7F800000 : f32
      %neg3A_14 = arith.subf %neg3A, %neg3A_13 : f32
      %broadcast_in_dim3A_15 = vector.broadcast %neg3A_14 : f32 to vector<16xf32>
      %scan3A_16 = arith.constant 0 : i32
      %scan3A_17 = arith.constant 64 : i32
      %scan3A_18 = arith.addi %scan3A_16, %scan3A_17 : i32
      %scan3A_19 = arith.constant 1 : i32
      %scan3A_20:2 = scf.for %scan3A_105 = %scan3A_16 to %scan3A_18 step %scan3A_19 iter_args(%scan3A_106 = %broadcast_in_dim3A_12, %scan3A_107 = %broadcast_in_dim3A_15) -> (vector<16xf32>, vector<16xf32>)  : i32 {
        %mul3A_108 = arith.constant 2 : i32
        %mul3A_109 = arith.muli %scan3A_105, %mul3A_108 : i32
        %add3A_110 = arith.constant 0 : i32
        %add3A_111 = arith.addi %mul3A_109, %add3A_110 : i32
        %mul3A_112 = arith.constant 16 : i32
        %mul3A_113 = arith.muli %add3A_111, %mul3A_112 : i32
        %get3A = arith.index_cast %mul3A_113 : i32 to index
        %get3A_114 = tpu.vector_load %arg5[%get3A] {strides = array<i32>} : memref<2048xf32, #tpu.memory_space<vmem>>, vector<16xf32>,
        %get3A_115 = arith.index_cast %mul3A_113 : i32 to index
        %get3A_116 = tpu.vector_load %arg6[%get3A_115] {strides = array<i32>} : memref<2048xf32, #tpu.memory_space<vmem>>, vector<16xf32>,
        %min3A = arith.minimumf %scan3A_106, %get3A_114 : vector<16xf32>
        %min3A_117 = arith.minimumf %min3A, %get3A_116 : vector<16xf32>
        %max3A_118 = arith.maximumf %scan3A_107, %get3A_114 : vector<16xf32>
        %max3A_119 = arith.maximumf %max3A_118, %get3A_116 : vector<16xf32>
        %mul3A_120 = arith.constant 2 : i32
        %mul3A_121 = arith.muli %scan3A_105, %mul3A_120 : i32
        %add3A_122 = arith.constant 1 : i32
        %add3A_123 = arith.addi %mul3A_121, %add3A_122 : i32
        %mul3A_124 = arith.constant 16 : i32
        %mul3A_125 = arith.muli %add3A_123, %mul3A_124 : i32
        %get3A_126 = arith.index_cast %mul3A_125 : i32 to index
        %get3A_127 = tpu.vector_load %arg5[%get3A_126] {strides = array<i32>} : memref<2048xf32, #tpu.memory_space<vmem>>, vector<16xf32>,
        %get3A_128 = arith.index_cast %mul3A_125 : i32 to index
        %get3A_129 = tpu.vector_load %arg6[%get3A_128] {strides = array<i32>} : memref<2048xf32, #tpu.memory_space<vmem>>, vector<16xf32>,
        %min3A_130 = arith.minimumf %min3A_117, %get3A_127 : vector<16xf32>
        %min3A_131 = arith.minimumf %min3A_130, %get3A_129 : vector<16xf32>
        %max3A_132 = arith.maximumf %max3A_119, %get3A_127 : vector<16xf32>
        %max3A_133 = arith.maximumf %max3A_132, %get3A_129 : vector<16xf32>
        scf.yield %min3A_131, %max3A_133 : vector<16xf32>, vector<16xf32>
      }
      %scan3A_21 = arith.constant 64 : i32
      %reduce_min3A = arith.constant true
      %reduce_min3A_22 = vector.broadcast %reduce_min3A : i1 to vector<16xi1>
      %reduce_min3A_23 = tpu.scan <min>, %scan3A_20#0 masked %reduce_min3A_22 : vector<16xf32>, vector<16xi1> -> vector<16xf32>
      %reduce_min3A_24 = vector.extract %reduce_min3A_23[15] : f32 from vector<16xf32>
      %broadcast_in_dim3A_25 = vector.broadcast %reduce_min3A_24 : f32 to vector<16xf32>
      %bitcast_convert_type3A = tpu.bitcast %broadcast_in_dim3A_25 : vector<16xf32> -> vector<16xi32>
      %shift_right_arithmetic3A = arith.constant 31 : i32
      %shift_right_arithmetic3A_26 = vector.broadcast %shift_right_arithmetic3A : i32 to vector<16xi32>
      %shift_right_arithmetic3A_27 = arith.shrsi %bitcast_convert_type3A, %shift_right_arithmetic3A_26 : vector<16xi32>
      %bitcast_convert_type3A_28 = tpu.bitcast %shift_right_arithmetic3A_27 : vector<16xi32> -> vector<16xi32>
      %bitcast_convert_type3A_29 = tpu.bitcast %broadcast_in_dim3A_25 : vector<16xf32> -> vector<16xi32>
      %or3A = arith.constant -2147483648 : i32
      %or3A_30 = vector.broadcast %or3A : i32 to vector<16xi32>
      %or3A_31 = arith.ori %bitcast_convert_type3A_28, %or3A_30 : vector<16xi32>
      %xor3A = arith.xori %bitcast_convert_type3A_29, %or3A_31 : vector<16xi32>
      %reduce_max3A = arith.constant true
      %reduce_max3A_32 = vector.broadcast %reduce_max3A : i1 to vector<16xi1>
      %reduce_max3A_33 = tpu.scan <max>, %scan3A_20#1 masked %reduce_max3A_32 : vector<16xf32>, vector<16xi1> -> vector<16xf32>
      %reduce_max3A_34 = vector.extract %reduce_max3A_33[15] : f32 from vector<16xf32>
      %broadcast_in_dim3A_35 = vector.broadcast %reduce_max3A_34 : f32 to vector<16xf32>
      %bitcast_convert_type3A_36 = tpu.bitcast %broadcast_in_dim3A_35 : vector<16xf32> -> vector<16xi32>
      %shift_right_arithmetic3A_37 = arith.constant 31 : i32
      %shift_right_arithmetic3A_38 = vector.broadcast %shift_right_arithmetic3A_37 : i32 to vector<16xi32>
      %shift_right_arithmetic3A_39 = arith.shrsi %bitcast_convert_type3A_36, %shift_right_arithmetic3A_38 : vector<16xi32>
      %bitcast_convert_type3A_40 = tpu.bitcast %shift_right_arithmetic3A_39 : vector<16xi32> -> vector<16xi32>
      %bitcast_convert_type3A_41 = tpu.bitcast %broadcast_in_dim3A_35 : vector<16xf32> -> vector<16xi32>
      %or3A_42 = arith.constant -2147483648 : i32
      %or3A_43 = vector.broadcast %or3A_42 : i32 to vector<16xi32>
      %or3A_44 = arith.ori %bitcast_convert_type3A_40, %or3A_43 : vector<16xi32>
      %xor3A_45 = arith.xori %bitcast_convert_type3A_41, %or3A_44 : vector<16xi32>
      %sub3A = arith.subi %xor3A_45, %xor3A : vector<16xi32>
      %convert_element_type3A = arith.uitofp %sub3A : vector<16xi32> to vector<16xf32>
      %bitcast_convert_type3A_46 = tpu.bitcast %convert_element_type3A : vector<16xf32> -> vector<16xi32>
      %shift_right_logical3A = arith.constant 23 : i32
      %shift_right_logical3A_47 = vector.broadcast %shift_right_logical3A : i32 to vector<16xi32>
      %shift_right_logical3A_48 = arith.shrui %bitcast_convert_type3A_46, %shift_right_logical3A_47 : vector<16xi32>
      %and3A = arith.constant 255 : i32
      %and3A_49 = vector.broadcast %and3A : i32 to vector<16xi32>
      %and3A_50 = arith.andi %shift_right_logical3A_48, %and3A_49 : vector<16xi32>
      %sub3A_51 = arith.constant 126 : i32
      %sub3A_52 = vector.broadcast %sub3A_51 : i32 to vector<16xi32>
      %sub3A_53 = arith.subi %and3A_50, %sub3A_52 : vector<16xi32>
      %sub3A_54 = arith.constant 12 : i32
      %sub3A_55 = vector.broadcast %sub3A_54 : i32 to vector<16xi32>
      %sub3A_56 = arith.subi %sub3A_53, %sub3A_55 : vector<16xi32>
      %max3A = arith.constant 0 : i32
      %max3A_57 = vector.broadcast %max3A : i32 to vector<16xi32>
      %max3A_58 = arith.maxsi %sub3A_56, %max3A_57 : vector<16xi32>
      %scan3A_59 = arith.constant 0 : i32
      %scan3A_60 = arith.constant 0 : i32
      %scan3A_61 = arith.constant 128 : i32
      %scan3A_62 = arith.addi %scan3A_60, %scan3A_61 : i32
      %scan3A_63 = arith.constant 1 : i32
      %scan3A_64 = scf.for %scan3A_105 = %scan3A_60 to %scan3A_62 step %scan3A_63 iter_args(%scan3A_106 = %scan3A_59) -> (i32)  : i32 {
        %mul3A_107 = arith.constant 2 : i32
        %mul3A_108 = arith.muli %scan3A_105, %mul3A_107 : i32
        %add3A_109 = arith.constant 0 : i32
        %add3A_110 = arith.addi %mul3A_108, %add3A_109 : i32
        %mul3A_111 = arith.constant 16 : i32
        %mul3A_112 = arith.muli %add3A_110, %mul3A_111 : i32
        %broadcast_in_dim3A_113 = arith.constant 0 : i32
        %broadcast_in_dim3A_114 = vector.broadcast %broadcast_in_dim3A_113 : i32 to vector<16xi32>
        %swap3A = arith.index_cast %mul3A_112 : i32 to index
        %swap3A_115 = tpu.vector_load %arg10[%swap3A] {strides = array<i32>} : memref<4096xi32, #tpu.memory_space<vmem>>, vector<16xi32>,
        tpu.vector_store %arg10[%swap3A], %broadcast_in_dim3A_114 {strides = array<i32>} : memref<4096xi32, #tpu.memory_space<vmem>>, vector<16xi32>,
        %broadcast_in_dim3A_116 = arith.constant 0 : i32
        %broadcast_in_dim3A_117 = vector.broadcast %broadcast_in_dim3A_116 : i32 to vector<16xi32>
        %swap3A_118 = arith.index_cast %mul3A_112 : i32 to index
        %swap3A_119 = tpu.vector_load %arg11[%swap3A_118] {strides = array<i32>} : memref<4096xi32, #tpu.memory_space<vmem>>, vector<16xi32>,
        tpu.vector_store %arg11[%swap3A_118], %broadcast_in_dim3A_117 {strides = array<i32>} : memref<4096xi32, #tpu.memory_space<vmem>>, vector<16xi32>,
        %mul3A_120 = arith.constant 2 : i32
        %mul3A_121 = arith.muli %scan3A_105, %mul3A_120 : i32
        %add3A_122 = arith.constant 1 : i32
        %add3A_123 = arith.addi %mul3A_121, %add3A_122 : i32
        %mul3A_124 = arith.constant 16 : i32
        %mul3A_125 = arith.muli %add3A_123, %mul3A_124 : i32
        %broadcast_in_dim3A_126 = arith.constant 0 : i32
        %broadcast_in_dim3A_127 = vector.broadcast %broadcast_in_dim3A_126 : i32 to vector<16xi32>
        %swap3A_128 = arith.index_cast %mul3A_125 : i32 to index
        %swap3A_129 = tpu.vector_load %arg10[%swap3A_128] {strides = array<i32>} : memref<4096xi32, #tpu.memory_space<vmem>>, vector<16xi32>,
        tpu.vector_store %arg10[%swap3A_128], %broadcast_in_dim3A_127 {strides = array<i32>} : memref<4096xi32, #tpu.memory_space<vmem>>, vector<16xi32>,
        %broadcast_in_dim3A_130 = arith.constant 0 : i32
        %broadcast_in_dim3A_131 = vector.broadcast %broadcast_in_dim3A_130 : i32 to vector<16xi32>
        %swap3A_132 = arith.index_cast %mul3A_125 : i32 to index
        %swap3A_133 = tpu.vector_load %arg11[%swap3A_132] {strides = array<i32>} : memref<4096xi32, #tpu.memory_space<vmem>>, vector<16xi32>,
        tpu.vector_store %arg11[%swap3A_132], %broadcast_in_dim3A_131 {strides = array<i32>} : memref<4096xi32, #tpu.memory_space<vmem>>, vector<16xi32>,
        %scan3A_134 = arith.constant 0 : i32
        scf.yield %scan3A_134 : i32
      }
      %scan3A_65 = arith.constant 128 : i32
      %scan3A_66 = arith.constant 0 : i32
      %scan3A_67 = arith.constant 0 : i32
      %scan3A_68 = arith.constant 64 : i32
      %scan3A_69 = arith.addi %scan3A_67, %scan3A_68 : i32
      %scan3A_70 = arith.constant 1 : i32
      %scan3A_71 = scf.for %scan3A_105 = %scan3A_67 to %scan3A_69 step %scan3A_70 iter_args(%scan3A_106 = %scan3A_66) -> (i32)  : i32 {
        %mul3A_107 = arith.constant 2 : i32
        %mul3A_108 = arith.muli %scan3A_105, %mul3A_107 : i32
        %add3A_109 = arith.constant 0 : i32
        %add3A_110 = arith.addi %mul3A_108, %add3A_109 : i32
        %mul3A_111 = arith.constant 16 : i32
        %mul3A_112 = arith.muli %add3A_110, %mul3A_111 : i32
        %get3A = arith.index_cast %mul3A_112 : i32 to index
        %get3A_113 = tpu.vector_load %arg6[%get3A] {strides = array<i32>} : memref<2048xf32, #tpu.memory_space<vmem>>, vector<16xf32>,
        %bitcast_convert_type3A_114 = tpu.bitcast %get3A_113 : vector<16xf32> -> vector<16xi32>
        %shift_right_arithmetic3A_115 = arith.constant 31 : i32
        %shift_right_arithmetic3A_116 = vector.broadcast %shift_right_arithmetic3A_115 : i32 to vector<16xi32>
        %shift_right_arithmetic3A_117 = arith.shrsi %bitcast_convert_type3A_114, %shift_right_arithmetic3A_116 : vector<16xi32>
        %bitcast_convert_type3A_118 = tpu.bitcast %shift_right_arithmetic3A_117 : vector<16xi32> -> vector<16xi32>
        %bitcast_convert_type3A_119 = tpu.bitcast %get3A_113 : vector<16xf32> -> vector<16xi32>
        %or3A_120 = arith.constant -2147483648 : i32
        %or3A_121 = vector.broadcast %or3A_120 : i32 to vector<16xi32>
        %or3A_122 = arith.ori %bitcast_convert_type3A_118, %or3A_121 : vector<16xi32>
        %xor3A_123 = arith.xori %bitcast_convert_type3A_119, %or3A_122 : vector<16xi32>
        %sub3A_124 = arith.subi %xor3A_123, %xor3A : vector<16xi32>
        %shift_right_logical3A_125 = arith.shrui %sub3A_124, %max3A_58 : vector<16xi32>
        %bitcast_convert_type3A_126 = tpu.bitcast %xor3A_123 : vector<16xi32> -> vector<16xi32>
        %swap3A = arith.index_cast %mul3A_112 : i32 to index
        %swap3A_127 = tpu.vector_load %arg7[%swap3A] {strides = array<i32>} : memref<2048xi32, #tpu.memory_space<vmem>>, vector<16xi32>,
        tpu.vector_store %arg7[%swap3A], %bitcast_convert_type3A_126 {strides = array<i32>} : memref<2048xi32, #tpu.memory_space<vmem>>, vector<16xi32>,
        %swap3A_128 = arith.index_cast %mul3A_112 : i32 to index
        %swap3A_129 = tpu.vector_load %arg8[%swap3A_128] {strides = array<i32>} : memref<2048xi32, #tpu.memory_space<vmem>>, vector<16xi32>,
        tpu.vector_store %arg8[%swap3A_128], %shift_right_logical3A_125 {strides = array<i32>} : memref<2048xi32, #tpu.memory_space<vmem>>, vector<16xi32>,
        %broadcast_in_dim3A_130 = arith.constant true
        %broadcast_in_dim3A_131 = vector.broadcast %broadcast_in_dim3A_130 : i1 to vector<16xi1>
        %unique3A, %unique3A_132 = tpu.scan_count mask(%broadcast_in_dim3A_131 : vector<16xi1>) value(%shift_right_logical3A_125 : vector<16xi32>) : vector<16xi1>, vector<16xi32>
        %sub3A_133 = arith.constant 1 : i32
        %sub3A_134 = vector.broadcast %sub3A_133 : i32 to vector<16xi32>
        %sub3A_135 = arith.subi %unique3A_132, %sub3A_134 : vector<16xi32>
        %jit3A = arith.constant 256 : i32
        %jit3A_136 = arith.constant 0 : i32
        %broadcast_in_dim3A_137 = vector.broadcast %jit3A : i32 to vector<16xi32>
        %broadcast_in_dim3A_138 = vector.broadcast %jit3A_136 : i32 to vector<16xi32>
        %select_n3A = arith.select %unique3A, %broadcast_in_dim3A_137, %broadcast_in_dim3A_138 : vector<16xi1>, vector<16xi32>
        %add3A_139 = arith.addi %sub3A_135, %select_n3A : vector<16xi32>
        %swap3A_140 = arith.index_cast %mul3A_112 : i32 to index
        %swap3A_141 = tpu.vector_load %arg9[%swap3A_140] {strides = array<i32>} : memref<2048xi32, #tpu.memory_space<vmem>>, vector<16xi32>,
        tpu.vector_store %arg9[%swap3A_140], %add3A_139 {strides = array<i32>} : memref<2048xi32, #tpu.memory_space<vmem>>, vector<16xi32>,
        %gather3A = tpu.vector_load_idx %arg10[%shift_right_logical3A_125] : memref<4096xi32, #tpu.memory_space<vmem>>[vector<16xi32>], vector<16xi32>,
        %add3A_142 = arith.addi %gather3A, %sub3A_135 : vector<16xi32>
        %add3A_143 = arith.constant 1 : i32
        %add3A_144 = vector.broadcast %add3A_143 : i32 to vector<16xi32>
        %add3A_145 = arith.addi %add3A_142, %add3A_144 : vector<16xi32>
        tpu.vector_store_idx %arg10[%shift_right_logical3A_125], %add3A_145 masked %unique3A : memref<4096xi32, #tpu.memory_space<vmem>>[vector<16xi32>], vector<16xi32>, vector<16xi1>
        %mul3A_146 = arith.constant 2 : i32
        %mul3A_147 = arith.muli %scan3A_105, %mul3A_146 : i32
        %add3A_148 = arith.constant 1 : i32
        %add3A_149 = arith.addi %mul3A_147, %add3A_148 : i32
        %mul3A_150 = arith.constant 16 : i32
        %mul3A_151 = arith.muli %add3A_149, %mul3A_150 : i32
        %get3A_152 = arith.index_cast %mul3A_151 : i32 to index
        %get3A_153 = tpu.vector_load %arg6[%get3A_152] {strides = array<i32>} : memref<2048xf32, #tpu.memory_space<vmem>>, vector<16xf32>,
        %bitcast_convert_type3A_154 = tpu.bitcast %get3A_153 : vector<16xf32> -> vector<16xi32>
        %shift_right_arithmetic3A_155 = arith.constant 31 : i32
        %shift_right_arithmetic3A_156 = vector.broadcast %shift_right_arithmetic3A_155 : i32 to vector<16xi32>
        %shift_right_arithmetic3A_157 = arith.shrsi %bitcast_convert_type3A_154, %shift_right_arithmetic3A_156 : vector<16xi32>
        %bitcast_convert_type3A_158 = tpu.bitcast %shift_right_arithmetic3A_157 : vector<16xi32> -> vector<16xi32>
        %bitcast_convert_type3A_159 = tpu.bitcast %get3A_153 : vector<16xf32> -> vector<16xi32>
        %or3A_160 = arith.constant -2147483648 : i32
        %or3A_161 = vector.broadcast %or3A_160 : i32 to vector<16xi32>
        %or3A_162 = arith.ori %bitcast_convert_type3A_158, %or3A_161 : vector<16xi32>
        %xor3A_163 = arith.xori %bitcast_convert_type3A_159, %or3A_162 : vector<16xi32>
        %sub3A_164 = arith.subi %xor3A_163, %xor3A : vector<16xi32>
        %shift_right_logical3A_165 = arith.shrui %sub3A_164, %max3A_58 : vector<16xi32>
        %bitcast_convert_type3A_166 = tpu.bitcast %xor3A_163 : vector<16xi32> -> vector<16xi32>
        %swap3A_167 = arith.index_cast %mul3A_151 : i32 to index
        %swap3A_168 = tpu.vector_load %arg7[%swap3A_167] {strides = array<i32>} : memref<2048xi32, #tpu.memory_space<vmem>>, vector<16xi32>,
        tpu.vector_store %arg7[%swap3A_167], %bitcast_convert_type3A_166 {strides = array<i32>} : memref<2048xi32, #tpu.memory_space<vmem>>, vector<16xi32>,
        %swap3A_169 = arith.index_cast %mul3A_151 : i32 to index
        %swap3A_170 = tpu.vector_load %arg8[%swap3A_169] {strides = array<i32>} : memref<2048xi32, #tpu.memory_space<vmem>>, vector<16xi32>,
        tpu.vector_store %arg8[%swap3A_169], %shift_right_logical3A_165 {strides = array<i32>} : memref<2048xi32, #tpu.memory_space<vmem>>, vector<16xi32>,
        %broadcast_in_dim3A_171 = arith.constant true
        %broadcast_in_dim3A_172 = vector.broadcast %broadcast_in_dim3A_171 : i1 to vector<16xi1>
        %unique3A_173, %unique3A_174 = tpu.scan_count mask(%broadcast_in_dim3A_172 : vector<16xi1>) value(%shift_right_logical3A_165 : vector<16xi32>) : vector<16xi1>, vector<16xi32>
        %sub3A_175 = arith.constant 1 : i32
        %sub3A_176 = vector.broadcast %sub3A_175 : i32 to vector<16xi32>
        %sub3A_177 = arith.subi %unique3A_174, %sub3A_176 : vector<16xi32>
        %jit3A_178 = arith.constant 256 : i32
        %jit3A_179 = arith.constant 0 : i32
        %broadcast_in_dim3A_180 = vector.broadcast %jit3A_178 : i32 to vector<16xi32>
        %broadcast_in_dim3A_181 = vector.broadcast %jit3A_179 : i32 to vector<16xi32>
        %select_n3A_182 = arith.select %unique3A_173, %broadcast_in_dim3A_180, %broadcast_in_dim3A_181 : vector<16xi1>, vector<16xi32>
        %add3A_183 = arith.addi %sub3A_177, %select_n3A_182 : vector<16xi32>
        %swap3A_184 = arith.index_cast %mul3A_151 : i32 to index
        %swap3A_185 = tpu.vector_load %arg9[%swap3A_184] {strides = array<i32>} : memref<2048xi32, #tpu.memory_space<vmem>>, vector<16xi32>,
        tpu.vector_store %arg9[%swap3A_184], %add3A_183 {strides = array<i32>} : memref<2048xi32, #tpu.memory_space<vmem>>, vector<16xi32>,
        %gather3A_186 = tpu.vector_load_idx %arg10[%shift_right_logical3A_165] : memref<4096xi32, #tpu.memory_space<vmem>>[vector<16xi32>], vector<16xi32>,
        %add3A_187 = arith.addi %gather3A_186, %sub3A_177 : vector<16xi32>
        %add3A_188 = arith.constant 1 : i32
        %add3A_189 = vector.broadcast %add3A_188 : i32 to vector<16xi32>
        %add3A_190 = arith.addi %add3A_187, %add3A_189 : vector<16xi32>
        tpu.vector_store_idx %arg10[%shift_right_logical3A_165], %add3A_190 masked %unique3A_173 : memref<4096xi32, #tpu.memory_space<vmem>>[vector<16xi32>], vector<16xi32>, vector<16xi1>
        %scan3A_191 = arith.constant 0 : i32
        scf.yield %scan3A_191 : i32
      }
      %scan3A_72 = arith.constant 64 : i32
      %broadcast_in_dim3A_73 = arith.constant 0 : i32
      %broadcast_in_dim3A_74 = vector.broadcast %broadcast_in_dim3A_73 : i32 to vector<16xi32>
      %scan3A_75 = arith.constant 0 : i32
      %scan3A_76 = arith.constant 128 : i32
      %scan3A_77 = arith.addi %scan3A_75, %scan3A_76 : i32
      %scan3A_78 = arith.constant 1 : i32
      %scan3A_79 = scf.for %scan3A_105 = %scan3A_75 to %scan3A_77 step %scan3A_78 iter_args(%scan3A_106 = %broadcast_in_dim3A_74) -> (vector<16xi32>)  : i32 {
        %mul3A_107 = arith.constant 2 : i32
        %mul3A_108 = arith.muli %scan3A_105, %mul3A_107 : i32
        %add3A_109 = arith.constant 0 : i32
        %add3A_110 = arith.addi %mul3A_108, %add3A_109 : i32
        %mul3A_111 = arith.constant 16 : i32
        %mul3A_112 = arith.muli %add3A_110, %mul3A_111 : i32
        %get3A = arith.index_cast %mul3A_112 : i32 to index
        %get3A_113 = tpu.vector_load %arg10[%get3A] {strides = array<i32>} : memref<4096xi32, #tpu.memory_space<vmem>>, vector<16xi32>,
        %broadcast_in_dim3A_114 = arith.constant true
        %broadcast_in_dim3A_115 = vector.broadcast %broadcast_in_dim3A_114 : i1 to vector<16xi1>
        %masked_cumsum3A = tpu.scan <sum>, %get3A_113 masked %broadcast_in_dim3A_115 : vector<16xi32>, vector<16xi1> -> vector<16xi32>
        %sub3A_116 = arith.subi %masked_cumsum3A, %get3A_113 : vector<16xi32>
        %add3A_117 = arith.addi %sub3A_116, %scan3A_106 : vector<16xi32>
        %swap3A = arith.index_cast %mul3A_112 : i32 to index
        %swap3A_118 = tpu.vector_load %arg12[%swap3A] {strides = array<i32>} : memref<4096xi32, #tpu.memory_space<vmem>>, vector<16xi32>,
        tpu.vector_store %arg12[%swap3A], %add3A_117 {strides = array<i32>} : memref<4096xi32, #tpu.memory_space<vmem>>, vector<16xi32>,
        %reduce_sum3A_119 = arith.constant true
        %reduce_sum3A_120 = vector.broadcast %reduce_sum3A_119 : i1 to vector<16xi1>
        %reduce_sum3A_121 = tpu.scan <sum>, %get3A_113 masked %reduce_sum3A_120 : vector<16xi32>, vector<16xi1> -> vector<16xi32>
        %reduce_sum3A_122 = vector.extract %reduce_sum3A_121[15] : i32 from vector<16xi32>
        %broadcast_in_dim3A_123 = vector.broadcast %reduce_sum3A_122 : i32 to vector<16xi32>
        %add3A_124 = arith.addi %scan3A_106, %broadcast_in_dim3A_123 : vector<16xi32>
        %mul3A_125 = arith.constant 2 : i32
        %mul3A_126 = arith.muli %scan3A_105, %mul3A_125 : i32
        %add3A_127 = arith.constant 1 : i32
        %add3A_128 = arith.addi %mul3A_126, %add3A_127 : i32
        %mul3A_129 = arith.constant 16 : i32
        %mul3A_130 = arith.muli %add3A_128, %mul3A_129 : i32
        %get3A_131 = arith.index_cast %mul3A_130 : i32 to index
        %get3A_132 = tpu.vector_load %arg10[%get3A_131] {strides = array<i32>} : memref<4096xi32, #tpu.memory_space<vmem>>, vector<16xi32>,
        %broadcast_in_dim3A_133 = arith.constant true
        %broadcast_in_dim3A_134 = vector.broadcast %broadcast_in_dim3A_133 : i1 to vector<16xi1>
        %masked_cumsum3A_135 = tpu.scan <sum>, %get3A_132 masked %broadcast_in_dim3A_134 : vector<16xi32>, vector<16xi1> -> vector<16xi32>
        %sub3A_136 = arith.subi %masked_cumsum3A_135, %get3A_132 : vector<16xi32>
        %add3A_137 = arith.addi %sub3A_136, %add3A_124 : vector<16xi32>
        %swap3A_138 = arith.index_cast %mul3A_130 : i32 to index
        %swap3A_139 = tpu.vector_load %arg12[%swap3A_138] {strides = array<i32>} : memref<4096xi32, #tpu.memory_space<vmem>>, vector<16xi32>,
        tpu.vector_store %arg12[%swap3A_138], %add3A_137 {strides = array<i32>} : memref<4096xi32, #tpu.memory_space<vmem>>, vector<16xi32>,
        %reduce_sum3A_140 = arith.constant true
        %reduce_sum3A_141 = vector.broadcast %reduce_sum3A_140 : i1 to vector<16xi1>
        %reduce_sum3A_142 = tpu.scan <sum>, %get3A_132 masked %reduce_sum3A_141 : vector<16xi32>, vector<16xi1> -> vector<16xi32>
        %reduce_sum3A_143 = vector.extract %reduce_sum3A_142[15] : i32 from vector<16xi32>
        %broadcast_in_dim3A_144 = vector.broadcast %reduce_sum3A_143 : i32 to vector<16xi32>
        %add3A_145 = arith.addi %add3A_124, %broadcast_in_dim3A_144 : vector<16xi32>
        scf.yield %add3A_145 : vector<16xi32>
      }
      %scan3A_80 = arith.constant 128 : i32
      %scan3A_81 = arith.constant 0 : i32
      %scan3A_82 = arith.constant 0 : i32
      %scan3A_83 = arith.constant 64 : i32
      %scan3A_84 = arith.addi %scan3A_82, %scan3A_83 : i32
      %scan3A_85 = arith.constant 1 : i32
      %scan3A_86 = scf.for %scan3A_105 = %scan3A_82 to %scan3A_84 step %scan3A_85 iter_args(%scan3A_106 = %scan3A_81) -> (i32)  : i32 {
        %mul3A_107 = arith.constant 2 : i32
        %mul3A_108 = arith.muli %scan3A_105, %mul3A_107 : i32
        %add3A_109 = arith.constant 0 : i32
        %add3A_110 = arith.addi %mul3A_108, %add3A_109 : i32
        %mul3A_111 = arith.constant 16 : i32
        %mul3A_112 = arith.muli %add3A_110, %mul3A_111 : i32
        %get3A = arith.index_cast %mul3A_112 : i32 to index
        %get3A_113 = tpu.vector_load %arg8[%get3A] {strides = array<i32>} : memref<2048xi32, #tpu.memory_space<vmem>>, vector<16xi32>,
        %get3A_114 = arith.index_cast %mul3A_112 : i32 to index
        %get3A_115 = tpu.vector_load %arg9[%get3A_114] {strides = array<i32>} : memref<2048xi32, #tpu.memory_space<vmem>>, vector<16xi32>,
        %and3A_116 = arith.constant 255 : i32
        %and3A_117 = vector.broadcast %and3A_116 : i32 to vector<16xi32>
        %and3A_118 = arith.andi %get3A_115, %and3A_117 : vector<16xi32>
        %ge3A = arith.constant 256 : i32
        %ge3A_119 = vector.broadcast %ge3A : i32 to vector<16xi32>
        %ge3A_120 = arith.cmpi sge, %get3A_115, %ge3A_119 : vector<16xi32>
        %get3A_121 = arith.index_cast %mul3A_112 : i32 to index
        %get3A_122 = tpu.vector_load %arg7[%get3A_121] {strides = array<i32>} : memref<2048xi32, #tpu.memory_space<vmem>>, vector<16xi32>,
        %gather3A = tpu.vector_load_idx %arg11[%get3A_113] : memref<4096xi32, #tpu.memory_space<vmem>>[vector<16xi32>], vector<16xi32>,
        %gather3A_123 = tpu.vector_load_idx %arg12[%get3A_113] : memref<4096xi32, #tpu.memory_space<vmem>>[vector<16xi32>], vector<16xi32>,
        %add3A_124 = arith.addi %gather3A_123, %gather3A : vector<16xi32>
        %add3A_125 = arith.addi %add3A_124, %and3A_118 : vector<16xi32>
        tpu.vector_store_idx %arg13[%add3A_125], %get3A_122 : memref<2048xi32, #tpu.memory_space<vmem>>[vector<16xi32>], vector<16xi32>,
        %add3A_126 = arith.addi %gather3A, %and3A_118 : vector<16xi32>
        %add3A_127 = arith.constant 1 : i32
        %add3A_128 = vector.broadcast %add3A_127 : i32 to vector<16xi32>
        %add3A_129 = arith.addi %add3A_126, %add3A_128 : vector<16xi32>
        tpu.vector_store_idx %arg11[%get3A_113], %add3A_129 masked %ge3A_120 : memref<4096xi32, #tpu.memory_space<vmem>>[vector<16xi32>], vector<16xi32>, vector<16xi1>
        %mul3A_130 = arith.constant 2 : i32
        %mul3A_131 = arith.muli %scan3A_105, %mul3A_130 : i32
        %add3A_132 = arith.constant 1 : i32
        %add3A_133 = arith.addi %mul3A_131, %add3A_132 : i32
        %mul3A_134 = arith.constant 16 : i32
        %mul3A_135 = arith.muli %add3A_133, %mul3A_134 : i32
        %get3A_136 = arith.index_cast %mul3A_135 : i32 to index
        %get3A_137 = tpu.vector_load %arg8[%get3A_136] {strides = array<i32>} : memref<2048xi32, #tpu.memory_space<vmem>>, vector<16xi32>,
        %get3A_138 = arith.index_cast %mul3A_135 : i32 to index
        %get3A_139 = tpu.vector_load %arg9[%get3A_138] {strides = array<i32>} : memref<2048xi32, #tpu.memory_space<vmem>>, vector<16xi32>,
        %and3A_140 = arith.constant 255 : i32
        %and3A_141 = vector.broadcast %and3A_140 : i32 to vector<16xi32>
        %and3A_142 = arith.andi %get3A_139, %and3A_141 : vector<16xi32>
        %ge3A_143 = arith.constant 256 : i32
        %ge3A_144 = vector.broadcast %ge3A_143 : i32 to vector<16xi32>
        %ge3A_145 = arith.cmpi sge, %get3A_139, %ge3A_144 : vector<16xi32>
        %get3A_146 = arith.index_cast %mul3A_135 : i32 to index
        %get3A_147 = tpu.vector_load %arg7[%get3A_146] {strides = array<i32>} : memref<2048xi32, #tpu.memory_space<vmem>>, vector<16xi32>,
        %gather3A_148 = tpu.vector_load_idx %arg11[%get3A_137] : memref<4096xi32, #tpu.memory_space<vmem>>[vector<16xi32>], vector<16xi32>,
        %gather3A_149 = tpu.vector_load_idx %arg12[%get3A_137] : memref<4096xi32, #tpu.memory_space<vmem>>[vector<16xi32>], vector<16xi32>,
        %add3A_150 = arith.addi %gather3A_149, %gather3A_148 : vector<16xi32>
        %add3A_151 = arith.addi %add3A_150, %and3A_142 : vector<16xi32>
        tpu.vector_store_idx %arg13[%add3A_151], %get3A_147 : memref<2048xi32, #tpu.memory_space<vmem>>[vector<16xi32>], vector<16xi32>,
        %add3A_152 = arith.addi %gather3A_148, %and3A_142 : vector<16xi32>
        %add3A_153 = arith.constant 1 : i32
        %add3A_154 = vector.broadcast %add3A_153 : i32 to vector<16xi32>
        %add3A_155 = arith.addi %add3A_152, %add3A_154 : vector<16xi32>
        tpu.vector_store_idx %arg11[%get3A_137], %add3A_155 masked %ge3A_145 : memref<4096xi32, #tpu.memory_space<vmem>>[vector<16xi32>], vector<16xi32>, vector<16xi1>
        %scan3A_156 = arith.constant 0 : i32
        scf.yield %scan3A_156 : i32
      }
      %scan3A_87 = arith.constant 64 : i32
      %broadcast_in_dim3A_88 = arith.constant 0 : i32
      %broadcast_in_dim3A_89 = vector.broadcast %broadcast_in_dim3A_88 : i32 to vector<16xi32>
      %scan3A_90 = arith.constant 0 : i32
      %scan3A_91 = arith.constant 128 : i32
      %scan3A_92 = arith.addi %scan3A_90, %scan3A_91 : i32
      %scan3A_93 = arith.constant 1 : i32
      %scan3A_94 = scf.for %scan3A_105 = %scan3A_90 to %scan3A_92 step %scan3A_93 iter_args(%scan3A_106 = %broadcast_in_dim3A_89) -> (vector<16xi32>)  : i32 {
        %mul3A_107 = arith.constant 16 : i32
        %mul3A_108 = arith.muli %scan3A_105, %mul3A_107 : i32
        %get3A = arith.index_cast %mul3A_108 : i32 to index
        %get3A_109 = tpu.vector_load %arg5[%get3A] {strides = array<i32>} : memref<2048xf32, #tpu.memory_space<vmem>>, vector<16xf32>,
        %bitcast_convert_type3A_110 = tpu.bitcast %get3A_109 : vector<16xf32> -> vector<16xi32>
        %shift_right_arithmetic3A_111 = arith.constant 31 : i32
        %shift_right_arithmetic3A_112 = vector.broadcast %shift_right_arithmetic3A_111 : i32 to vector<16xi32>
        %shift_right_arithmetic3A_113 = arith.shrsi %bitcast_convert_type3A_110, %shift_right_arithmetic3A_112 : vector<16xi32>
        %bitcast_convert_type3A_114 = tpu.bitcast %shift_right_arithmetic3A_113 : vector<16xi32> -> vector<16xi32>
        %bitcast_convert_type3A_115 = tpu.bitcast %get3A_109 : vector<16xf32> -> vector<16xi32>
        %or3A_116 = arith.constant -2147483648 : i32
        %or3A_117 = vector.broadcast %or3A_116 : i32 to vector<16xi32>
        %or3A_118 = arith.ori %bitcast_convert_type3A_114, %or3A_117 : vector<16xi32>
        %xor3A_119 = arith.xori %bitcast_convert_type3A_115, %or3A_118 : vector<16xi32>
        %sub3A_120 = arith.subi %xor3A_119, %xor3A : vector<16xi32>
        %shift_right_logical3A_121 = arith.shrui %sub3A_120, %max3A_58 : vector<16xi32>
        %gather3A = tpu.vector_load_idx %arg12[%shift_right_logical3A_121] : memref<4096xi32, #tpu.memory_space<vmem>>[vector<16xi32>], vector<16xi32>,
        %gather3A_122 = tpu.vector_load_idx %arg10[%shift_right_logical3A_121] : memref<4096xi32, #tpu.memory_space<vmem>>[vector<16xi32>], vector<16xi32>,
        %add3A_123 = arith.addi %scan3A_106, %gather3A : vector<16xi32>
        %reduce_max3A_124 = arith.constant true
        %reduce_max3A_125 = vector.broadcast %reduce_max3A_124 : i1 to vector<16xi1>
        %reduce_max3A_126 = arith.constant -2147483648 : i32
        %reduce_max3A_127 = vector.broadcast %reduce_max3A_126 : i32 to vector<16xi32>
        %reduce_max3A_128 = arith.xori %gather3A_122, %reduce_max3A_127 : vector<16xi32>
        %reduce_max3A_129 = tpu.scan <max>, %reduce_max3A_128 masked %reduce_max3A_125 : vector<16xi32>, vector<16xi1> -> vector<16xi32>
        %reduce_max3A_130 = arith.xori %reduce_max3A_129, %reduce_max3A_127 : vector<16xi32>
        %reduce_max3A_131 = vector.extract %reduce_max3A_130[15] : i32 from vector<16xi32>
        %sub3A_132 = arith.constant 1 : i32
        %sub3A_133 = vector.broadcast %sub3A_132 : i32 to vector<16xi32>
        %sub3A_134 = arith.subi %gather3A_122, %sub3A_133 : vector<16xi32>
        %max3A_135 = arith.constant 0 : i32
        %max3A_136 = vector.broadcast %max3A_135 : i32 to vector<16xi32>
        %max3A_137 = arith.maxsi %sub3A_134, %max3A_136 : vector<16xi32>
        %add3A_138 = arith.constant 1 : i32
        %add3A_139 = arith.addi %reduce_max3A_131, %add3A_138 : i32
        %jit3A = arith.constant 2 : i32
        %div3A = arith.divsi %add3A_139, %jit3A : i32
        %sign3A = arith.constant 0 : i32
        %sign3A_140 = arith.cmpi sgt, %add3A_139, %sign3A : i32
        %sign3A_141 = arith.extui %sign3A_140 : i1 to i32
        %sign3A_142 = arith.constant 0 : i32
        %sign3A_143 = arith.cmpi slt, %add3A_139, %sign3A_142 : i32
        %sign3A_144 = arith.extui %sign3A_143 : i1 to i32
        %sign3A_145 = arith.subi %sign3A_141, %sign3A_144 : i32
        %sign3A_146 = arith.constant 0 : i32
        %sign3A_147 = arith.cmpi sgt, %jit3A, %sign3A_146 : i32
        %sign3A_148 = arith.extui %sign3A_147 : i1 to i32
        %sign3A_149 = arith.constant 0 : i32
        %sign3A_150 = arith.cmpi slt, %jit3A, %sign3A_149 : i32
        %sign3A_151 = arith.extui %sign3A_150 : i1 to i32
        %sign3A_152 = arith.subi %sign3A_148, %sign3A_151 : i32
        %ne3A = arith.cmpi ne, %sign3A_145, %sign3A_152 : i32
        %rem3A = arith.remsi %add3A_139, %jit3A : i32
        %ne3A_153 = arith.constant 0 : i32
        %ne3A_154 = arith.cmpi ne, %rem3A, %ne3A_153 : i32
        %and3A_155 = arith.andi %ne3A, %ne3A_154 : i1
        %sub3A_156 = arith.constant 1 : i32
        %sub3A_157 = arith.subi %div3A, %sub3A_156 : i32
        %select_n3A = arith.select %and3A_155, %sub3A_157, %div3A : i32
        %broadcast_in_dim3A_158 = arith.constant 0 : i32
        %broadcast_in_dim3A_159 = vector.broadcast %broadcast_in_dim3A_158 : i32 to vector<16xi32>
        %while3A = arith.constant 0 : i32
        %while3A_160 = arith.subi %select_n3A, %while3A : i32
        %while3A_161 = arith.addi %while3A, %while3A_160 : i32
        %while3A_162 = arith.constant 1 : i32
        %while3A_163 = arith.divsi %while3A_160, %while3A_162 : i32
        %while3A_164 = arith.muli %while3A_163, %while3A_162 : i32
        %while3A_165 = arith.addi %while3A, %while3A_164 : i32
        %while3A_166 = arith.constant 1 : i32
        %while3A_167 = scf.for %while3A_171 = %while3A to %while3A_165 step %while3A_166 iter_args(%while3A_172 = %broadcast_in_dim3A_159) -> (vector<16xi32>)  : i32 {
          %mul3A_173 = arith.constant 2 : i32
          %mul3A_174 = arith.muli %while3A_171, %mul3A_173 : i32
          %add3A_175 = arith.constant 0 : i32
          %add3A_176 = arith.addi %mul3A_174, %add3A_175 : i32
          %broadcast_in_dim3A_177 = vector.broadcast %add3A_176 : i32 to vector<16xi32>
          %min3A = arith.minsi %broadcast_in_dim3A_177, %max3A_137 : vector<16xi32>
          %add3A_178 = arith.addi %gather3A, %min3A : vector<16xi32>
          %gather3A_179 = tpu.vector_load_idx %arg13[%add3A_178] : memref<2048xi32, #tpu.memory_space<vmem>>[vector<16xi32>], vector<16xi32>,
          %bitcast_convert_type3A_180 = tpu.bitcast %gather3A_179 : vector<16xi32> -> vector<16xi32>
          %lt3A = arith.cmpi ult, %bitcast_convert_type3A_180, %xor3A_119 : vector<16xi32>
          %lt3A_181 = arith.cmpi slt, %broadcast_in_dim3A_177, %gather3A_122 : vector<16xi32>
          %and3A_182 = arith.andi %lt3A, %lt3A_181 : vector<16xi1>
          %jit3A_183 = arith.constant 1 : i32
          %jit3A_184 = arith.constant 0 : i32
          %broadcast_in_dim3A_185 = vector.broadcast %jit3A_183 : i32 to vector<16xi32>
          %broadcast_in_dim3A_186 = vector.broadcast %jit3A_184 : i32 to vector<16xi32>
          %select_n3A_187 = arith.select %and3A_182, %broadcast_in_dim3A_185, %broadcast_in_dim3A_186 : vector<16xi1>, vector<16xi32>
          %add3A_188 = arith.addi %while3A_172, %select_n3A_187 : vector<16xi32>
          %mul3A_189 = arith.constant 2 : i32
          %mul3A_190 = arith.muli %while3A_171, %mul3A_189 : i32
          %add3A_191 = arith.constant 1 : i32
          %add3A_192 = arith.addi %mul3A_190, %add3A_191 : i32
          %broadcast_in_dim3A_193 = vector.broadcast %add3A_192 : i32 to vector<16xi32>
          %min3A_194 = arith.minsi %broadcast_in_dim3A_193, %max3A_137 : vector<16xi32>
          %add3A_195 = arith.addi %gather3A, %min3A_194 : vector<16xi32>
          %gather3A_196 = tpu.vector_load_idx %arg13[%add3A_195] : memref<2048xi32, #tpu.memory_space<vmem>>[vector<16xi32>], vector<16xi32>,
          %bitcast_convert_type3A_197 = tpu.bitcast %gather3A_196 : vector<16xi32> -> vector<16xi32>
          %lt3A_198 = arith.cmpi ult, %bitcast_convert_type3A_197, %xor3A_119 : vector<16xi32>
          %lt3A_199 = arith.cmpi slt, %broadcast_in_dim3A_193, %gather3A_122 : vector<16xi32>
          %and3A_200 = arith.andi %lt3A_198, %lt3A_199 : vector<16xi1>
          %jit3A_201 = arith.constant 1 : i32
          %jit3A_202 = arith.constant 0 : i32
          %broadcast_in_dim3A_203 = vector.broadcast %jit3A_201 : i32 to vector<16xi32>
          %broadcast_in_dim3A_204 = vector.broadcast %jit3A_202 : i32 to vector<16xi32>
          %select_n3A_205 = arith.select %and3A_200, %broadcast_in_dim3A_203, %broadcast_in_dim3A_204 : vector<16xi1>, vector<16xi32>
          %add3A_206 = arith.addi %add3A_188, %select_n3A_205 : vector<16xi32>
          scf.yield %add3A_206 : vector<16xi32>
        }
        %while3A_168 = arith.constant 1 : i32
        %while3A_169 = scf.for %while3A_171 = %while3A_165 to %while3A_161 step %while3A_168 iter_args(%while3A_172 = %while3A_167) -> (vector<16xi32>)  : i32 {
          %mul3A_173 = arith.constant 2 : i32
          %mul3A_174 = arith.muli %while3A_171, %mul3A_173 : i32
          %add3A_175 = arith.constant 0 : i32
          %add3A_176 = arith.addi %mul3A_174, %add3A_175 : i32
          %broadcast_in_dim3A_177 = vector.broadcast %add3A_176 : i32 to vector<16xi32>
          %min3A = arith.minsi %broadcast_in_dim3A_177, %max3A_137 : vector<16xi32>
          %add3A_178 = arith.addi %gather3A, %min3A : vector<16xi32>
          %gather3A_179 = tpu.vector_load_idx %arg13[%add3A_178] : memref<2048xi32, #tpu.memory_space<vmem>>[vector<16xi32>], vector<16xi32>,
          %bitcast_convert_type3A_180 = tpu.bitcast %gather3A_179 : vector<16xi32> -> vector<16xi32>
          %lt3A = arith.cmpi ult, %bitcast_convert_type3A_180, %xor3A_119 : vector<16xi32>
          %lt3A_181 = arith.cmpi slt, %broadcast_in_dim3A_177, %gather3A_122 : vector<16xi32>
          %and3A_182 = arith.andi %lt3A, %lt3A_181 : vector<16xi1>
          %jit3A_183 = arith.constant 1 : i32
          %jit3A_184 = arith.constant 0 : i32
          %broadcast_in_dim3A_185 = vector.broadcast %jit3A_183 : i32 to vector<16xi32>
          %broadcast_in_dim3A_186 = vector.broadcast %jit3A_184 : i32 to vector<16xi32>
          %select_n3A_187 = arith.select %and3A_182, %broadcast_in_dim3A_185, %broadcast_in_dim3A_186 : vector<16xi1>, vector<16xi32>
          %add3A_188 = arith.addi %while3A_172, %select_n3A_187 : vector<16xi32>
          %mul3A_189 = arith.constant 2 : i32
          %mul3A_190 = arith.muli %while3A_171, %mul3A_189 : i32
          %add3A_191 = arith.constant 1 : i32
          %add3A_192 = arith.addi %mul3A_190, %add3A_191 : i32
          %broadcast_in_dim3A_193 = vector.broadcast %add3A_192 : i32 to vector<16xi32>
          %min3A_194 = arith.minsi %broadcast_in_dim3A_193, %max3A_137 : vector<16xi32>
          %add3A_195 = arith.addi %gather3A, %min3A_194 : vector<16xi32>
          %gather3A_196 = tpu.vector_load_idx %arg13[%add3A_195] : memref<2048xi32, #tpu.memory_space<vmem>>[vector<16xi32>], vector<16xi32>,
          %bitcast_convert_type3A_197 = tpu.bitcast %gather3A_196 : vector<16xi32> -> vector<16xi32>
          %lt3A_198 = arith.cmpi ult, %bitcast_convert_type3A_197, %xor3A_119 : vector<16xi32>
          %lt3A_199 = arith.cmpi slt, %broadcast_in_dim3A_193, %gather3A_122 : vector<16xi32>
          %and3A_200 = arith.andi %lt3A_198, %lt3A_199 : vector<16xi1>
          %jit3A_201 = arith.constant 1 : i32
          %jit3A_202 = arith.constant 0 : i32
          %broadcast_in_dim3A_203 = vector.broadcast %jit3A_201 : i32 to vector<16xi32>
          %broadcast_in_dim3A_204 = vector.broadcast %jit3A_202 : i32 to vector<16xi32>
          %select_n3A_205 = arith.select %and3A_200, %broadcast_in_dim3A_203, %broadcast_in_dim3A_204 : vector<16xi1>, vector<16xi32>
          %add3A_206 = arith.addi %add3A_188, %select_n3A_205 : vector<16xi32>
          scf.yield %add3A_206 : vector<16xi32>
        }
        %add3A_170 = arith.addi %add3A_123, %while3A_169 : vector<16xi32>
        scf.yield %add3A_170 : vector<16xi32>
      }
      %scan3A_95 = arith.constant 128 : i32
      %reduce_sum3A = arith.constant true
      %reduce_sum3A_96 = vector.broadcast %reduce_sum3A : i1 to vector<16xi1>
      %reduce_sum3A_97 = tpu.scan <sum>, %scan3A_94 masked %reduce_sum3A_96 : vector<16xi32>, vector<16xi1> -> vector<16xi32>
      %reduce_sum3A_98 = vector.extract %reduce_sum3A_97[15] : i32 from vector<16xi32>
      %broadcast_in_dim3A_99 = vector.broadcast %reduce_sum3A_98 : i32 to vector<16xi32>
      %convert_element_type3A_100 = arith.sitofp %broadcast_in_dim3A_99 : vector<16xi32> to vector<16xf32>
      %broadcast_in_dim3A_101 = vector.broadcast %scan3A_9 : i32 to vector<16xi32>
      %eq3A = arith.constant 0 : i32
      %eq3A_102 = vector.broadcast %eq3A : i32 to vector<16xi32>
      %eq3A_103 = arith.cmpi eq, %iota3A, %eq3A_102 : vector<16xi32>
      tpu.vector_store_idx %arg14[%broadcast_in_dim3A_101], %convert_element_type3A_100 masked %eq3A_103 : memref<256xf32, #tpu.memory_space<vmem>>[vector<16xi32>], vector<16xf32>, vector<16xi1>
      %scan3A_104 = arith.constant 0 : i32
      scf.yield %scan3A_104 : i32
    }
    %scan3A_8 = arith.constant 256 : i32
    "tpu.region"() ({
      %run_scoped3A = tpu.sem_alloc : memref<!tpu.dma_semaphore, #tpu.memory_space<semaphore_mem>>
      %dma_start3A = tpu.memref_slice %arg4[%mul3A_2] : memref<8192xf32, #tpu.memory_space<hbm>> -> memref<256xf32, #tpu.memory_space<hbm>>
      %dma_start3A_9 = tpu.memref_slice %arg4[%mul3A_2] : memref<8192xf32, #tpu.memory_space<hbm>> -> memref<256xf32, #tpu.memory_space<hbm>>
      tpu.enqueue_dma source(%arg14 : memref<256xf32, #tpu.memory_space<vmem>>) target(%dma_start3A_9 : memref<256xf32, #tpu.memory_space<hbm>>) target_semaphore(%run_scoped3A : memref<!tpu.dma_semaphore, #tpu.memory_space<semaphore_mem>>)
      %dma_wait3A = tpu.memref_slice %arg4[%mul3A_2] : memref<8192xf32, #tpu.memory_space<hbm>> -> memref<256xf32, #tpu.memory_space<hbm>>
      %dma_wait3A_10 = tpu.memref_slice %arg4[%mul3A_2] : memref<8192xf32, #tpu.memory_space<hbm>> -> memref<256xf32, #tpu.memory_space<hbm>>
      tpu.wait_dma2 semaphore(%run_scoped3A : memref<!tpu.dma_semaphore, #tpu.memory_space<semaphore_mem>>) src(%arg14 : memref<256xf32, #tpu.memory_space<vmem>>) dst(%dma_wait3A_10 : memref<256xf32, #tpu.memory_space<hbm>>)
      tpu.yield
    }) : () -> ()
    return
  }
}

module attributes {stable_mosaic.version = 14 : i64} {
  func.func @_cosim_kernel(%arg0: i32, %arg1: i32, %arg2: memref<1x256x128xf32, #tpu.memory_space<vmem>>, %arg3: memref<1x2048x128xf32, #tpu.memory_space<vmem>>, %arg4: memref<1x2048x128xf32, #tpu.memory_space<vmem>>, %arg5: memref<1x1x128xf32, #tpu.memory_space<vmem>>, %arg6: memref<256x2048xf32, #tpu.memory_space<vmem>>, %arg7: memref<256x2048xf32, #tpu.memory_space<vmem>>) attributes {dimension_semantics = [#tpu.dimension_semantics<arbitrary>, #tpu.dimension_semantics<arbitrary>], iteration_bounds = array<i64: 4, 8>, scalar_prefetch = 0 : i64, scratch_operands = 0 : i64, tpu.core_type = #tpu.core_type<tc>, window_params = [{transform_indices = @transform_0, window_bounds = array<i64: 1, 256, 128>}, {transform_indices = @transform_1, window_bounds = array<i64: 1, 2048, 128>}, {transform_indices = @transform_2, window_bounds = array<i64: 1, 2048, 128>}, {transform_indices = @transform_3, window_bounds = array<i64: 1, 1, 128>}, {transform_indices = @transform_4, window_bounds = array<i64: 256, 2048>}, {transform_indices = @transform_5, window_bounds = array<i64: 256, 2048>}]} {
    %get3A = arith.constant 0 : index
    %get3A_0 = arith.constant 0 : index
    %get3A_1 = arith.constant 0 : index
    %get3A_2 = vector.load %arg2[%get3A, %get3A_0, %get3A_1] : memref<1x256x128xf32, #tpu.memory_space<vmem>>, vector<1x256x128xf32>
    %get3A_3 = vector.shape_cast %get3A_2 : vector<1x256x128xf32> to vector<256x128xf32>
    %get3A_4 = arith.constant 0 : index
    %get3A_5 = arith.constant 0 : index
    %get3A_6 = arith.constant 0 : index
    %get3A_7 = vector.load %arg5[%get3A_4, %get3A_5, %get3A_6] : memref<1x1x128xf32, #tpu.memory_space<vmem>>, vector<1x1x128xf32>
    %get3A_8 = vector.shape_cast %get3A_7 : vector<1x1x128xf32> to vector<1x128xf32>
    %sub3A = vector.broadcast %get3A_8 : vector<1x128xf32> to vector<256x128xf32>
    %sub3A_9 = arith.subf %get3A_3, %sub3A : vector<256x128xf32>
    %mul3A = arith.mulf %sub3A_9, %sub3A_9 : vector<256x128xf32>
    %reduce_sum3A = arith.constant dense<0.000000e+00> : vector<256xf32>
    %reduce_sum3A_10 = vector.multi_reduction <add>, %mul3A, %reduce_sum3A [1] : vector<256x128xf32> to vector<256xf32>
    %broadcast_in_dim3A = vector.shape_cast %reduce_sum3A_10 : vector<256xf32> to vector<256x1xf32>
    %sqrt3A = math.sqrt %broadcast_in_dim3A : vector<256x1xf32>
    %max3A = arith.constant 9.99999996E-13 : f32
    %max3A_11 = vector.broadcast %max3A : f32 to vector<256x1xf32>
    %max3A_12 = arith.maximumf %sqrt3A, %max3A_11 : vector<256x1xf32>
    %div3A = vector.broadcast %max3A_12 : vector<256x1xf32> to vector<256x128xf32>
    %div3A_13 = arith.divf %sub3A_9, %div3A : vector<256x128xf32>
    %get3A_14 = arith.constant 0 : index
    %get3A_15 = arith.constant 0 : index
    %get3A_16 = arith.constant 0 : index
    %get3A_17 = vector.load %arg3[%get3A_14, %get3A_15, %get3A_16] : memref<1x2048x128xf32, #tpu.memory_space<vmem>>, vector<1x2048x128xf32>
    %get3A_18 = vector.shape_cast %get3A_17 : vector<1x2048x128xf32> to vector<2048x128xf32>
    %sub3A_19 = vector.broadcast %get3A_8 : vector<1x128xf32> to vector<2048x128xf32>
    %sub3A_20 = arith.subf %get3A_18, %sub3A_19 : vector<2048x128xf32>
    %mul3A_21 = arith.mulf %sub3A_20, %sub3A_20 : vector<2048x128xf32>
    %reduce_sum3A_22 = arith.constant dense<0.000000e+00> : vector<2048xf32>
    %reduce_sum3A_23 = vector.multi_reduction <add>, %mul3A_21, %reduce_sum3A_22 [1] : vector<2048x128xf32> to vector<2048xf32>
    %broadcast_in_dim3A_24 = vector.shape_cast %reduce_sum3A_23 : vector<2048xf32> to vector<2048x1xf32>
    %sqrt3A_25 = math.sqrt %broadcast_in_dim3A_24 : vector<2048x1xf32>
    %max3A_26 = arith.constant 9.99999996E-13 : f32
    %max3A_27 = vector.broadcast %max3A_26 : f32 to vector<2048x1xf32>
    %max3A_28 = arith.maximumf %sqrt3A_25, %max3A_27 : vector<2048x1xf32>
    %div3A_29 = vector.broadcast %max3A_28 : vector<2048x1xf32> to vector<2048x128xf32>
    %div3A_30 = arith.divf %sub3A_20, %div3A_29 : vector<2048x128xf32>
    %get3A_31 = arith.constant 0 : index
    %get3A_32 = arith.constant 0 : index
    %get3A_33 = arith.constant 0 : index
    %get3A_34 = vector.load %arg4[%get3A_31, %get3A_32, %get3A_33] : memref<1x2048x128xf32, #tpu.memory_space<vmem>>, vector<1x2048x128xf32>
    %get3A_35 = vector.shape_cast %get3A_34 : vector<1x2048x128xf32> to vector<2048x128xf32>
    %sub3A_36 = vector.broadcast %get3A_8 : vector<1x128xf32> to vector<2048x128xf32>
    %sub3A_37 = arith.subf %get3A_35, %sub3A_36 : vector<2048x128xf32>
    %mul3A_38 = arith.mulf %sub3A_37, %sub3A_37 : vector<2048x128xf32>
    %reduce_sum3A_39 = arith.constant dense<0.000000e+00> : vector<2048xf32>
    %reduce_sum3A_40 = vector.multi_reduction <add>, %mul3A_38, %reduce_sum3A_39 [1] : vector<2048x128xf32> to vector<2048xf32>
    %broadcast_in_dim3A_41 = vector.shape_cast %reduce_sum3A_40 : vector<2048xf32> to vector<2048x1xf32>
    %sqrt3A_42 = math.sqrt %broadcast_in_dim3A_41 : vector<2048x1xf32>
    %max3A_43 = arith.constant 9.99999996E-13 : f32
    %max3A_44 = vector.broadcast %max3A_43 : f32 to vector<2048x1xf32>
    %max3A_45 = arith.maximumf %sqrt3A_42, %max3A_44 : vector<2048x1xf32>
    %div3A_46 = vector.broadcast %max3A_45 : vector<2048x1xf32> to vector<2048x128xf32>
    %div3A_47 = arith.divf %sub3A_37, %div3A_46 : vector<2048x128xf32>
    %dot_general3A = arith.constant dense<0.000000e+00> : vector<256x2048xf32>
    %dot_general3A_48 = tpu.matmul %div3A_13, %div3A_30, %dot_general3A {dimension_numbers = #tpu.dot_dimension_numbers<[1], [1], [0], [0], [0, 0, 1, 0], [], []>, transpose_lhs_hint = false} : vector<256x128xf32>, vector<2048x128xf32>, vector<256x2048xf32> -> vector<256x2048xf32>
    %mul3A_49 = arith.constant 2.000000e+00 : f32
    %mul3A_50 = vector.broadcast %mul3A_49 : f32 to vector<256x2048xf32>
    %mul3A_51 = arith.mulf %mul3A_50, %dot_general3A_48 : vector<256x2048xf32>
    %sub3A_52 = arith.constant 2.000000e+00 : f32
    %sub3A_53 = vector.broadcast %sub3A_52 : f32 to vector<256x2048xf32>
    %sub3A_54 = arith.subf %sub3A_53, %mul3A_51 : vector<256x2048xf32>
    %swap3A = arith.constant 0 : index
    %swap3A_55 = arith.constant 0 : index
    %swap3A_56 = vector.load %arg6[%swap3A, %swap3A_55] : memref<256x2048xf32, #tpu.memory_space<vmem>>, vector<256x2048xf32>
    tpu.vector_store %arg6[%swap3A, %swap3A_55], %sub3A_54 {strides = array<i32>} : memref<256x2048xf32, #tpu.memory_space<vmem>>, vector<256x2048xf32>,
    %dot_general3A_57 = arith.constant dense<0.000000e+00> : vector<256x2048xf32>
    %dot_general3A_58 = tpu.matmul %div3A_13, %div3A_47, %dot_general3A_57 {dimension_numbers = #tpu.dot_dimension_numbers<[1], [1], [0], [0], [0, 0, 1, 0], [], []>, transpose_lhs_hint = false} : vector<256x128xf32>, vector<2048x128xf32>, vector<256x2048xf32> -> vector<256x2048xf32>
    %mul3A_59 = arith.constant 2.000000e+00 : f32
    %mul3A_60 = vector.broadcast %mul3A_59 : f32 to vector<256x2048xf32>
    %mul3A_61 = arith.mulf %mul3A_60, %dot_general3A_58 : vector<256x2048xf32>
    %sub3A_62 = arith.constant 2.000000e+00 : f32
    %sub3A_63 = vector.broadcast %sub3A_62 : f32 to vector<256x2048xf32>
    %sub3A_64 = arith.subf %sub3A_63, %mul3A_61 : vector<256x2048xf32>
    %swap3A_65 = arith.constant 0 : index
    %swap3A_66 = arith.constant 0 : index
    %swap3A_67 = vector.load %arg7[%swap3A_65, %swap3A_66] : memref<256x2048xf32, #tpu.memory_space<vmem>>, vector<256x2048xf32>
    tpu.vector_store %arg7[%swap3A_65, %swap3A_66], %sub3A_64 {strides = array<i32>} : memref<256x2048xf32, #tpu.memory_space<vmem>>, vector<256x2048xf32>,
    return
  }
  func.func @transform_0(%arg0: i32, %arg1: i32) -> (i32, i32, i32) {
    %c0_i32 = arith.constant 0 : i32
    %c0_i32_0 = arith.constant 0 : i32
    return %arg0, %arg1, %c0_i32 : i32, i32, i32
  }
  func.func @transform_1(%arg0: i32, %arg1: i32) -> (i32, i32, i32) {
    %c0_i32 = arith.constant 0 : i32
    %c0_i32_0 = arith.constant 0 : i32
    %c0_i32_1 = arith.constant 0 : i32
    return %arg0, %c0_i32, %c0_i32_0 : i32, i32, i32
  }
  func.func @transform_2(%arg0: i32, %arg1: i32) -> (i32, i32, i32) {
    %c0_i32 = arith.constant 0 : i32
    %c0_i32_0 = arith.constant 0 : i32
    %c0_i32_1 = arith.constant 0 : i32
    return %arg0, %c0_i32, %c0_i32_0 : i32, i32, i32
  }
  func.func @transform_3(%arg0: i32, %arg1: i32) -> (i32, i32, i32) {
    %c0_i32 = arith.constant 0 : i32
    %c0_i32_0 = arith.constant 0 : i32
    %c0_i32_1 = arith.constant 0 : i32
    return %arg0, %c0_i32, %c0_i32_0 : i32, i32, i32
  }
  func.func @transform_4(%arg0: i32, %arg1: i32) -> (i32, i32) {
    %mul3A = arith.constant 8 : i32
    %mul3A_0 = arith.muli %arg0, %mul3A : i32
    %add3A = arith.addi %mul3A_0, %arg1 : i32
    %c0_i32 = arith.constant 0 : i32
    %c0_i32_1 = arith.constant 0 : i32
    return %add3A, %c0_i32 : i32, i32
  }
  func.func @transform_5(%arg0: i32, %arg1: i32) -> (i32, i32) {
    %mul3A = arith.constant 8 : i32
    %mul3A_0 = arith.muli %arg0, %mul3A : i32
    %add3A = arith.addi %mul3A_0, %arg1 : i32
    %c0_i32 = arith.constant 0 : i32
    %c0_i32_1 = arith.constant 0 : i32
    return %add3A, %c0_i32 : i32, i32
  }
}

</mosaic_0001>

<sc_bundles>
// kernel: kernel.4.cloned.1.call-start
scs
__scs_entry_jumppad:
0x0: {  	(pc) =	sbr.rel $0x88, $3  }
0x1: {  	(tag) =	ssettag $0x0;
	lr =	simm.s32 $0x1  }
0x2: {  	[smem:$0x3F9D] =	sst lr;
	_ =	strace $0xD0000000  }
0x3: {  	_ = 	snop  }
0x4: {  	_ = 	snop  }
0x5: {  	_ = 	snop  }
0x6: {  	_ = 	snop  }
0x7: {  	_ = 	snop  }
__scs_overlays_trampoline_lowered:
0x8: {  	[smem:$0x3FAC] =	sst s0  }
0x9: {  	[smem:$0x3FAD] =	sst s1  }
0xa: {  	[smem:$0x3FAE] =	sst s2  }
0xb: {  	[smem:$0x3FAF] =	sst s3  }
0xc: {  	[smem:$0x3FB0] =	sst s4  }
0xd: {  	[smem:$0x3FB1] =	sst s5  }
0xe: {  	[smem:$0x3FB2] =	sst s6  }
0xf: {  	[smem:$0x3FB3] =	sst s7  }
0x10: {  	[smem:$0x3FB4] =	sst s8  }
0x11: {  	[smem:$0x3FB5] =	sst s9;
	s0 =	simm.s32 @!p0 $0x0  }
0x12: {  	s1 =	sld [smem:$0x3F9B];
	s0 =	simm.s32 @p0 $0x1  }
0x13: {  	[smem:$0x3FB6] =	sst s0;
	s0 =	simm.s32 @!p1 $0x0  }
0x14: {  	s2 =	sld [smem:$0x3F9A];
	s0 =	simm.s32 @p1 $0x1  }
0x15: {  	[smem:$0x3FB7] =	sst s0;
	s0 =	simm.s32 @!p2 $0x0  }
0x16: {  	s3 =	sld [smem:$0x3FDB];
	s0 =	simm.s32 @p2 $0x1  }
0x17: {  	s4 =	simm.s32 $0x1BF5;
	[smem:$0x3FB9] =	sst s0  }
0x18: {  	s0 =	sld [smem:$0x3F9C];
	_ =	swait.ge [sflag:s4], $0x0  }
0x19: {  	s7 =	sld [smem:$0x3F9D]  }
0x1a: {  	s8 =	sadd.s32 $0xFFFFE003, lr  }
0x1b: {  	s9 =	sadd.s32 $0xFFFFFEF7, lr;
	s5 =	simm.s32 $0xFFFFFFFF;
	p2 =	slt.u32 s8, $0xFFFFF086  }
0x1c: {  	p1 =	slt.u32 s9, $0xF7A;
	s5 =	simm.s32 @!p2 $0x0  }
0x1d: {  	s5 =	simm.s32 @p1 $0x1;
	p0 =	seq.s32 s7, s2  }
0x1e: {  	s7 =	smul.u32 @!p0 $0xF7A, s2;
	p2 =	seq.s32 @!p0 s5, $0x0  }
0x1f: {  	s9 =	smul.u32 $0xF7A, s1;
	s8 =	simm.s32 @!p0 $0x1BF5;
	p2 =	por !p2, p0  }
0x20: {  	[sflag:s8] =	ssyncset.s32 @!p0 $0xFFFFF086;
	s6 =	sadd.s32 @!p0 s3, s7;
	s7 =	simm.s32 @!p0 $0x108  }
0x21: {  	s3 =	sadd.s32 s3, s9;
	s6 =	sadd.s32 @!p0 $0x88, s6;
	s7 =	simm.s32 @p2 $0x1082  }
0x22: {  	[simem:s7], [sflag:s8] =	dma.local @!p0 [hbm:s6], $0xF7A  }
0x23: {  	s9 =	sor.u32 $0xD0000000, s2;
	s6 =	simm.s32 $0x108;
	_ =	swait.ge @!p0 [sflag:s8], $0x0  }
0x24: {  	s3 =	sadd.s32 $0x88, s3;
	s6 =	simm.s32 @!p1 $0x1082;
	[sflag:s4] =	ssyncset.s32 $0xFFFFF086  }
0x25: {  	[simem:s6], [sflag:s4] =	dma.local [hbm:s3], $0xF7A  }
0x26: {  	[smem:$0x3F9D] =	sst s1;
	(tag) =	ssettag s2;
	_ =	strace s9  }
0x27: {  	s1 =	sld [smem:$0x3FAD]  }
0x28: {  	s2 =	sld [smem:$0x3FAE]  }
0x29: {  	s4 =	sld [smem:$0x3FB0]  }
0x2a: {  	p0 =	seq.s32 s5, $0x0;
	s5 =	sld [smem:$0x3FB1]  }
0x2b: {  	s6 =	sld [smem:$0x3FB2]  }
0x2c: {  	s7 =	sld [smem:$0x3FB3]  }
0x2d: {  	s3 =	simm.s32 $0x108;
	s8 =	sld [smem:$0x3FB4]  }
0x2e: {  	s3 =	simm.s32 @!p0 $0x1082;
	s9 =	sld [smem:$0x3FB5]  }
0x2f: {  	lr =	sadd.s32 s0, s3;
	s0 =	sld [smem:$0x3FAC]  }
0x30: {  	s3 =	sld [smem:$0x3FAF]  }
0x31: {  	[smem:$0x3FB8] =	sst s10  }
0x32: {  	s10 =	sld [smem:$0x3FB6];
	_ =	sdelay $0x3  }
0x33: {  	p0 =	seq.s32 s10, $0x1;
	s10 =	sld [smem:$0x3FB8];
	_ =	sdelay $0x3  }
0x34: {  	[smem:$0x3FB8] =	sst s10  }
0x35: {  	s10 =	sld [smem:$0x3FB7];
	_ =	sdelay $0x3  }
0x36: {  	p1 =	seq.s32 s10, $0x1;
	s10 =	sld [smem:$0x3FB8];
	_ =	sdelay $0x3  }
0x37: {  	[smem:$0x3FB8] =	sst s10  }
0x38: {  	s10 =	sld [smem:$0x3FB9]  }
0x39: {  	_ = 	snop;
	(pc) =	sbr.ind lr, $3  }
0x3a: {  	_ = 	snop  }
0x3b: {  	_ = 	snop  }
0x3c: {  	p2 =	seq.s32 s10, $0x1;
	s10 =	sld [smem:$0x3FB8]  }
0x3d: {  	_ =	shalt  }
0x3e: {  	_ =	shalt  }
0x3f: {  	_ =	shalt  }
0x40: {  	_ =	shalt  }
0x41: {  	_ =	shalt  }
0x42: {  	_ =	shalt  }
0x43: {  	_ =	shalt  }
0x44: {  	_ =	shalt  }
0x45: {  	_ =	shalt  }
0x46: {  	_ =	shalt  }
0x47: {  	_ =	shalt  }
0x48: {  	_ =	shalt  }
0x49: {  	_ =	shalt  }
0x4a: {  	_ =	shalt  }
0x4b: {  	_ =	shalt  }
0x4c: {  	_ =	shalt  }
0x4d: {  	_ =	shalt  }
0x4e: {  	_ =	shalt  }
0x4f: {  	_ =	shalt  }
0x50: {  	_ =	shalt  }
0x51: {  	_ =	shalt  }
0x52: {  	_ =	shalt  }
0x53: {  	_ =	shalt  }
0x54: {  	_ =	shalt  }
0x55: {  	_ =	shalt  }
0x56: {  	_ =	shalt  }
0x57: {  	_ =	shalt  }
0x58: {  	_ =	shalt  }
0x59: {  	_ =	shalt  }
0x5a: {  	_ =	shalt  }
0x5b: {  	_ =	shalt  }
0x5c: {  	_ =	shalt  }
0x5d: {  	_ =	shalt  }
0x5e: {  	_ =	shalt  }
0x5f: {  	_ =	shalt  }
0x60: {  	_ =	shalt  }
0x61: {  	_ =	shalt  }
0x62: {  	_ =	shalt  }
0x63: {  	_ =	shalt  }
0x64: {  	_ =	shalt  }
0x65: {  	_ =	shalt  }
0x66: {  	_ =	shalt  }
0x67: {  	_ =	shalt  }
0x68: {  	_ =	shalt  }
0x69: {  	_ =	shalt  }
0x6a: {  	_ =	shalt  }
0x6b: {  	_ =	shalt  }
0x6c: {  	_ =	shalt  }
0x6d: {  	_ =	shalt  }
0x6e: {  	_ =	shalt  }
0x6f: {  	_ =	shalt  }
0x70: {  	_ =	shalt  }
0x71: {  	_ =	shalt  }
0x72: {  	_ =	shalt  }
0x73: {  	_ =	shalt  }
0x74: {  	_ =	shalt  }
0x75: {  	_ =	shalt  }
0x76: {  	_ =	shalt  }
0x77: {  	_ =	shalt  }
0x78: {  	_ =	shalt  }
0x79: {  	_ =	shalt  }
0x7a: {  	_ =	shalt  }
0x7b: {  	_ =	shalt  }
0x7c: {  	_ =	shalt  }
0x7d: {  	_ =	shalt  }
0x7e: {  	_ =	shalt  }
0x7f: {  	_ =	shalt  }
0x80: {  	_ =	shalt  }
0x81: {  	_ =	shalt  }
0x82: {  	_ =	shalt  }
0x83: {  	_ =	shalt  }
0x84: {  	_ =	shalt  }
0x85: {  	_ =	shalt  }
0x86: {  	_ =	shalt  }
0x87: {  	_ =	shalt  }
.Lfunc_end0:
.L_simem_size_0:
called_computation_lowered:
.L_overlay_start_0:
0x88: {  	s2 =	sld [smem:$0x3FD9]  }
0x89: {  	s3 =	sld [smem:$0x3FFE];
	_ =	sdelay $0x1  }
0x8a: {  	s1 =	srdreg.scid  }
0x8b: {  	s0 =	sand.u32 $0x1, s1  }
0x8c: {  	s16 =	sshll.u32 s0, $0xA;
	s2 =	sadd.s32 s3, s2  }
0x8d: {  	s2 =	sadd.s32 s2, s16  }
0x8e: {  	[smem:$0x3FC4] =	sst s2  }
0x8f: {  	_ = 	snop  }
0x90: {  	(tm) =	ssettm $0x1  }
0x91: {  	s17 =	sld [smem:$0x3FFB];
	_ =	sdelay $0x3  }
0x92: {  	_ =	strace s17  }
0x93: {  	s2 =	sld [smem:$0x3FFC];
	_ =	sdelay $0x3  }
0x94: {  	_ =	strace s2  }
0x95: {  	s2 =	sld [smem:$0x3FFD];
	_ =	sdelay $0x3  }
0x96: {  	_ =	strace s2  }
0x97: {  	_ =	strace $0x8FFFFFFF  }
0x98: {  	s18 =	sld [smem:$0x3FDB];
	_ =	sdelay $0x1  }
0x99: {  	s19 =	simm.s32 $_scs_section_size  }
0x9a: {  	s4 =	simm.s32 $_size__tile_overlayer_lowered;
	s5 =	simm.s32 $_tile_overlayer_lowered  }
0x9b: {  	s22 =	simm.s32 $0x1BFF;
	s21 =	sshll.u32 s5, $0x1;
	s2 =	sadd.s32 s19, s18  }
0x9c: {  	s6 =	simm.s32 $0x0;
	s20 =	sshll.u32 s4, $0x1;
	s4 =	sadd.s32 s21, s2  }
0x9d: {  	[timem:s6], [sflag:s22] =	dma.local [hbm:s4], s20  }
0x9e: {  	_ =	swait.ge [sflag:s22], s20  }
0x9f: {  	s3 =	ssub.s32 $0x0, s20;
	[sflag:s22] =	ssyncset.done $0x0  }
0xa0: {  	[sflag:s22] =	ssyncadd.s32 s3;
	_ =	sdelay $0x1  }
0xa1: {  	s23 =	simm.s32 $0x1B8B  }
0xa2: {  	_ =	swait.ge [sflag:s23], $0x1  }
0xa3: {  	[sflag:s23] =	ssyncset.done $0x0  }
0xa4: {  	s25 =	simm.s32 $0x1B8E;
	s24 =	sld [smem:$0x3FFE];
	[sflag:s23] =	ssyncadd.s32 $0xFFFFFFFF  }
0xa5: {  	s26 =	simm.s32 $execute0_lowered;
	[smem:$0x3FD2] =	sst s25  }
0xa6: {  	s4 =	sshll.u32 s26, $0x1;
	_ =	strace $0x80000046;
	[dreg:$0x1] =	wrdreg $0xFFFFFFFF  }
0xa7: {  	s28 =	simm.s32 $_size_execute0_lowered;
	s2 =	sadd.s32 s2, s4;
	[dreg:$0x0] =	wrdreg $0x0  }
0xa8: {  	s4 =	sshll.u32 s28, $0x1;
	[dreg:$0x2] =	wrdreg s2  }
0xa9: {  	[dreg:$0x3] =	wrdreg s4  }
0xaa: {  	[dreg:$0x4] =	wrdreg $0xC0  }
0xab: {  	_ =	task [dreg:s6], $0x5FFFF  }
0xac: {  	[dreg:$0x1] =	wrdreg $0xFFFFFFFF  }
0xad: {  	[dreg:$0x0] =	wrdreg $0x60  }
0xae: {  	[dreg:$0x2] =	wrdreg s24  }
0xaf: {  	[dreg:$0x3] =	wrdreg $0x9  }
0xb0: {  	_ =	task.clear_ibuf [dreg:s6], $0x4FFFF;
	_ =	strace $0x90000046  }
0xb1: {  	s29 =	simm.s32 $0x9;
	_ =	strace $0x80000048  }
0xb2: {  	_ =	swait.ge [sflag:s29], $0x1  }
0xb3: {  	[sflag:s29] =	ssyncadd.s32 $0xFFFFFFFF  }
0xb4: {  	_ =	strace $0x90000048  }
0xb5: {  	_ =	sfence  }
0xb6: {  	s30 =	sld [smem:$0x0];
	_ =	sdelay $0x2  }
0xb7: {  	s31 =	sshll.u32 s1, $0xD;
	s1 =	sshrl.u32 s1, $0x2  }
0xb8: {  	s3 =	sand.u32 $0x4000, s31;
	s1 =	sadd.s32 s1, s30  }
0xb9: {  	s0 =	sor.u32 s3, s0;
	s1 =	sshll.u32 s1, $0x11  }
0xba: {  	s0 =	sor.u32 s1, s0  }
0xbb: {  	s0 =	sadd.s32 $0x8F2B, s0  }
0xbc: {  	[sflag:s0] =	ssyncadd.remote.s32 $0x1  }
0xbd: {  	_ =	sfence.sel $0xFFFF  }
0xbe: {  	[dreg:$0x0] =	wrdreg $0xFFFFFFFF;
	(pc) =	sbr.abs _section_cstart, $3  }
0xbf: {  	[dreg:$0x1] =	wrdreg $0xFFFFFFFF  }
0xc0: {  	_ =	task.clear_ibuf [dreg:s6], $0x2FFFF;
	_ =	strace $0x9FFFFFFF  }
0xc1: {  	(tm) =	ssettm $0x7FFFFFFF  }
tec
execute0_lowered:
.L_overlay_start_1:
0x0: {  	(tag) =	ssettag $0x1  }
0x1: {  	s6 =	rddreg [dreg:$0x0]  }
0x2: {  	s0 =	rddreg [dreg:$0x1];
	s3 =	srdreg.scid;
	s2 =	simm.s32 $0x0  }
0x3: {  	s1 =	stileid.u32;
	s10 =	simm.s32 $0x1;
	s11 =	simm.s32 $0x800  }
0x4: {  	s12 =	simm.s32 $0x2800;
	s13 =	simm.s32 $0x3800;
	s14 =	simm.s32 $0x4800  }
0x5: {  	s15 =	simm.s32 $0x5800;
	s16 =	simm.s32 $0x6000;
	s17 =	simm.s32 $0x0  }
0x6: {  	s4 =	sand.u32 $0x1, s3;
	[smem:$0x7FF] =	sst s2;
	s31 =	sshll.u32 s1, $0x9  }
.Ltmp0:
0x7: {  	s5 =	sshll.u32 s4, $0x8;
	_ =	strace $0x80000047;
	(pc) =	sbr.rel .LBB2_1-.Ltmp0, $4  }
0x8: {  	s7 =	ssub.s32 $0x2, s4;
	s4 =	sadd.s32 $0xA00, s6;
	s3 =	sor.u32 s5, s31  }
0x9: {  	s9 =	sshrl.u32 s7, $0x1;
	s5 =	sadd.s32 $0x200A00, s6;
	s8 =	sshrl.u32 s3, $0x3  }
0xa: {  	s7 =	ssub.s32 s7, s9;
	s9 =	simm.s32 $0x400;
	s6 =	sadd.s32 s8, s6  }
0xb: {  	v0 =	vimm.s32 $0x0;
	v1 =	vimm.s32 $0x8A;
	s7 =	smax.u32 s7, $0x1;
	s8 =	simm.s32 $0x80;
	s6 =	sadd.s32 $0x400A00, s6  }
.LBB2_25:
0xc: {  	s17 =	sadd.s32 $0x1, s17  }
0xd: {  	p0 =	sne.s32 s17, s7  }
.Ltmp1:
0xe: {  	_ = 	snop;
	(pc) =	sbr.rel @!p0 .LBB2_26-.Ltmp1, $4  }
0xf: {  	[hbm4b:s6+s2] =	stream.linear.scatter [tilespmem:s16], [sflag:$0x1], $0x100, $0x38;
	[tilespmem:$0x6100] =	vst v63  }
0x10: {  	_ =	swait.ge [sflag:s10], $0x100  }
0x11: {  	[sflag:s10] =	ssyncset.done $0x0  }
0x12: {  	[sflag:s10] =	ssyncadd.s32 $0xFFFFFF00  }
.LBB2_1:
.Ltmp2:
0x13: {  	(pc) =	sbr.rel .LBB2_2-.Ltmp2, $2  }
0x14: {  	_ =	sdelay $0x2  }
0x15: {  	s18 =	simm.s32 $0x0  }
.LBB2_24:
0x16: {  	(xrf0) =	vadd.scan.msk.s32 $0xffff, v5;
	_ =	sdelay $0x4  }
0x17: {  	v3 =	vmov s18;
	s18 =	sadd.s32 $0x1, s18  }
0x18: {  	p0 =	sne.s32 s18, $0x100;
	v2, _, _ =	vpop (xrf0)  }
.Ltmp3:
0x19: {  	v2 =	vcvt.s32.f32 v2;
	(pc) =	sbr.rel @!p0 .LBB2_25-.Ltmp3, $3  }
0x1a: {  	_ = 	snop  }
0x1b: {  	v2 =	vbroadcast v2, $0xF;
	_ =	sdelay $0x1  }
0x1c: {  	[tilespmem:v3+s16+$0x0] =	vst.idx.msk $0x1, v2  }
.LBB2_2:
0x1d: {  	s19 =	sadd.s32 s3, s18  }
0x1e: {  	s20 =	sshll.u32 s18, $0x4;
	s19 =	sshll.u32 s19, $0x8  }
0x1f: {  	s20 =	sand.u32 $0x70, s20;
	s19 =	sand.u32 $0x1FF800, s19  }
0x20: {  	s19 =	sor.u32 s20, s19  }
0x21: {  	s21 =	simm.s32 $0x0;
	s20 =	sadd.s32 s4, s19  }
0x22: {  	[tilespmem:s21], [sflag:$0x1] =	stream.strided.gather [hbm4b:s20+s8], $0x800, s9, s8, $0x38;
	[tilespmem:$0x6100] =	vst v63  }
0x23: {  	_ =	swait.ge [sflag:s10], $0x800  }
0x24: {  	[sflag:s10] =	ssyncset.done $0x0  }
0x25: {  	s19 =	sadd.s32 s5, s19;
	[sflag:s10] =	ssyncadd.s32 $0xFFFFF800  }
0x26: {  	[tilespmem:s11], [sflag:$0x1] =	stream.strided.gather [hbm4b:s19+s8], $0x800, s9, s8, $0x38;
	[tilespmem:$0x6100] =	vst v63  }
0x27: {  	_ =	swait.ge [sflag:s10], $0x800  }
0x28: {  	[sflag:s10] =	ssyncset.done $0x0  }
0x29: {  	s31 =	simm.s32 $0x0;
	[sflag:s10] =	ssyncadd.s32 $0xFFFFF800  }
0x2a: {  	v4 =	vld [tilespmem:s31+$0x0]  }
0x2b: {  	v3 =	vld [tilespmem:s31+$0x800]  }
0x2c: {  	v2 =	vld [tilespmem:s31+$0x10]  }
0x2d: {  	v6 =	vimm.f32 $+Inf;
	v7 =	vimm.f32 $-Inf;
	s19 =	simm.s32 $0x80;
	v5 =	vld [tilespmem:s31+$0x810]  }
.LBB2_3:
0x2e: {  	p0 =	sne.s32 s19, $0x1F80  }
.Ltmp4:
0x2f: {  	s20 =	sshra.s32 s19, $0x2;
	s19 =	sadd.s32 $0x80, s19;
	v6 =	vmin.f32 v6, v4;
	v7 =	vmax.f32 v7, v4;
	(pc) =	sbr.rel @p0 .LBB2_3-.Ltmp4, $4  }
0x30: {  	v4 =	vld [tilespmem:s20+$0x0];
	v6 =	vmin.f32 v6, v3;
	v7 =	vmax.f32 v7, v3  }
0x31: {  	v3 =	vld [tilespmem:s20+$0x800];
	v6 =	vmin.f32 v6, v2;
	v7 =	vmax.f32 v7, v2  }
0x32: {  	v2 =	vld [tilespmem:s20+$0x10];
	v6 =	vmin.f32 v6, v5;
	v7 =	vmax.f32 v7, v5  }
0x33: {  	v5 =	vld [tilespmem:s20+$0x810]  }
0x34: {  	_ = 	snop  }
0x35: {  	v6 =	vmin.f32 v6, v4;
	v4 =	vmax.f32 v7, v4  }
0x36: {  	v6 =	vmin.f32 v6, v3;
	v3 =	vmax.f32 v4, v3  }
0x37: {  	v4 =	vmin.f32 v6, v2;
	v3 =	vmax.f32 v3, v2  }
0x38: {  	s20 =	simm.s32 $0x80;
	s19 =	simm.s32 $0x0;
	v2 =	vmin.f32 v4, v5;
	v3 =	vmax.f32 v3, v5  }
.LBB2_5:
0x39: {  	p0 =	sne.s32 s20, $0x3F80;
	[tilespmem:s19+$0x3810] =	vst v0;
	s21 =	smov.u32 s20;
	s20 =	sadd.s32 $0x80, s20  }
.Ltmp5:
0x3a: {  	[tilespmem:s19+$0x2810] =	vst v0;
	(pc) =	sbr.rel @p0 .LBB2_5-.Ltmp5, $3  }
0x3b: {  	[tilespmem:s19+$0x2800] =	vst v0  }
0x3c: {  	[tilespmem:s19+$0x3800] =	vst v0;
	_ =	sdelay $0x1  }
0x3d: {  	s19 =	sshra.s32 s21, $0x2  }
0x3e: {  	(xrf0) =	vmin.scan.msk.f32 $0xffff, v2  }
0x3f: {  	(xrf0) =	vmax.scan.msk.f32 $0xffff, v3;
	_ =	sdelay $0x4  }
0x40: {  	v2, _, _ =	vpop (xrf0)  }
0x41: {  	v3, _, _ =	vpop (xrf0)  }
0x42: {  	v2 =	vbroadcast v2, $0xF;
	v3 =	vbroadcast v3, $0xF;
	_ =	sdelay $0x1  }
0x43: {  	v4 =	vshra.s32 v2, $0x1F;
	v5 =	vshra.s32 v3, $0x1F  }
0x44: {  	[tilespmem:s19+$0x3810] =	vst v0;
	v4 =	vor.u32 $0x80000000, v4;
	v5 =	vor.u32 $0x80000000, v5  }
0x45: {  	[tilespmem:s19+$0x2810] =	vst v0;
	v2 =	vxor.u32 v2, v4;
	v3 =	vxor.u32 v3, v5  }
0x46: {  	[tilespmem:s19+$0x2800] =	vst v0;
	v3 =	vsub.s32 v3, v2  }
0x47: {  	[tilespmem:s19+$0x3800] =	vst v0;
	s19 =	simm.s32 $0x0;
	v4 =	vshrl.u32 v3, $0x10  }
0x48: {  	v5 =	vld [tilespmem:s19+$0x800];
	v4 =	vcvt.s32.f32 v4  }
0x49: {  	v3 =	vand.u32 $0xFFFF, v3  }
0x4a: {  	v3 =	vcvt.s32.f32 v3;
	v4 =	vmul.f32 $6.553600000e+04, v4;
	_ =	sdelay $0x1  }
0x4b: {  	v3 =	vadd.f32 v3, v4  }
0x4c: {  	v4 =	vshra.s32 v5, $0x1F  }
0x4d: {  	v4 =	vor.u32 $0x80000000, v4;
	v3 =	vshrl.u32 v3, $0x17  }
0x4e: {  	v5 =	vxor.u32 v5, v4;
	v3 =	vmax.u32 v3, $0x8A  }
0x4f: {  	v4 =	vsub.s32 v5, v2;
	v3 =	vsub.s32 v3, v1  }
0x50: {  	v6 =	vshrl.u32 v4, v3  }
0x51: {  	(xrf1) =	vunique.msk.u32 $0xffff, v6;
	_ =	sdelay $0xd  }
0x52: {  	v4 =	vimm.s32 $0x0;
	_, v7, vm0 =	vpop (xrf1)  }
0x53: {  	v8 =	vsel vm0, $0x100, v4  }
0x54: {  	[tilespmem:s19+$0x1000] =	vst v5;
	v5 =	vadd.s32 v8, v7  }
0x55: {  	[tilespmem:s19+$0x1800] =	vst v6;
	v5 =	vadd.s32 $0xFFFFFFFF, v5  }
0x56: {  	[tilespmem:s19+$0x2000] =	vst v5  }
0x57: {  	v5 =	vld.idx.msk [tilespmem:v6+s12+$0x0], $0xffff;
	_ =	sdelay $0x4  }
0x58: {  	v5 =	vadd.s32 v5, v7  }
0x59: {  	[tilespmem:v6+s12+$0x0] =	vst.idx.msk vm0, v5  }
0x5a: {  	v5 =	vld [tilespmem:s19+$0x810];
	_ =	sdelay $0x4  }
0x5b: {  	v6 =	vshra.s32 v5, $0x1F  }
0x5c: {  	v6 =	vor.u32 $0x80000000, v6  }
0x5d: {  	v6 =	vxor.u32 v5, v6  }
0x5e: {  	v5 =	vsub.s32 v6, v2  }
0x5f: {  	v5 =	vshrl.u32 v5, v3  }
0x60: {  	(xrf1) =	vunique.msk.u32 $0xffff, v5;
	_ =	sdelay $0xd  }
0x61: {  	_, v7, vm0 =	vpop (xrf1)  }
0x62: {  	v8 =	vsel vm0, $0x100, v4  }
0x63: {  	[tilespmem:s19+$0x1010] =	vst v6;
	v6 =	vadd.s32 v8, v7  }
0x64: {  	[tilespmem:s19+$0x1810] =	vst v5;
	v6 =	vadd.s32 $0xFFFFFFFF, v6  }
0x65: {  	[tilespmem:s19+$0x2010] =	vst v6  }
0x66: {  	v6 =	vld.idx.msk [tilespmem:v5+s12+$0x0], $0xffff;
	_ =	sdelay $0x4  }
0x67: {  	s20 =	simm.s32 $0x80;
	s21 =	simm.s32 $0x100;
	v6 =	vadd.s32 v6, v7  }
.LBB2_7:
0x68: {  	p0 =	sne.s32 s21, $0x1F80  }
0x69: {  	s22 =	sshra.s32 s20, $0x2;
	[tilespmem:v5+s12+$0x0] =	vst.idx.msk vm0, v6;
	s20 =	smov.u32 s21;
	s21 =	sadd.s32 $0x80, s21  }
0x6a: {  	v5 =	vld [tilespmem:s22+$0x800];
	_ =	sdelay $0x4  }
0x6b: {  	v6 =	vshra.s32 v5, $0x1F  }
0x6c: {  	v6 =	vor.u32 $0x80000000, v6  }
0x6d: {  	v5 =	vxor.u32 v5, v6  }
0x6e: {  	v6 =	vsub.s32 v5, v2  }
0x6f: {  	v6 =	vshrl.u32 v6, v3  }
0x70: {  	(xrf1) =	vunique.msk.u32 $0xffff, v6;
	_ =	sdelay $0xd  }
0x71: {  	_, v7, vm0 =	vpop (xrf1)  }
0x72: {  	v8 =	vsel vm0, $0x100, v4  }
0x73: {  	[tilespmem:s22+$0x1000] =	vst v5;
	v5 =	vadd.s32 v8, v7  }
0x74: {  	[tilespmem:s22+$0x1800] =	vst v6;
	v5 =	vadd.s32 $0xFFFFFFFF, v5  }
0x75: {  	[tilespmem:s22+$0x2000] =	vst v5  }
0x76: {  	v5 =	vld.idx.msk [tilespmem:v6+s12+$0x0], $0xffff;
	_ =	sdelay $0x5  }
0x77: {  	v5 =	vadd.s32 v5, v7  }
0x78: {  	[tilespmem:v6+s12+$0x0] =	vst.idx.msk vm0, v5  }
0x79: {  	v5 =	vld [tilespmem:s22+$0x810];
	_ =	sdelay $0x4  }
0x7a: {  	v6 =	vshra.s32 v5, $0x1F  }
0x7b: {  	v6 =	vor.u32 $0x80000000, v6  }
0x7c: {  	v5 =	vxor.u32 v5, v6  }
0x7d: {  	v6 =	vsub.s32 v5, v2;
	[tilespmem:s22+$0x1010] =	vst v5  }
0x7e: {  	v5 =	vshrl.u32 v6, v3  }
0x7f: {  	[tilespmem:s22+$0x1810] =	vst v5;
	(xrf1) =	vunique.msk.u32 $0xffff, v5;
	_ =	sdelay $0xd  }
0x80: {  	_, v6, vm0 =	vpop (xrf1)  }
0x81: {  	v7 =	vsel vm0, $0x100, v4  }
0x82: {  	v7 =	vadd.s32 v7, v6  }
0x83: {  	v7 =	vadd.s32 $0xFFFFFFFF, v7  }
0x84: {  	[tilespmem:s22+$0x2010] =	vst v7  }
0x85: {  	v7 =	vld.idx.msk [tilespmem:v5+s12+$0x0], $0xffff;
	_ =	sdelay $0x1  }
.Ltmp6:
0x86: {  	(pc) =	sbr.rel @p0 .LBB2_7-.Ltmp6, $2  }
0x87: {  	_ =	sdelay $0x2  }
0x88: {  	v6 =	vadd.s32 v7, v6  }
0x89: {  	_ =	sdelay $0x4  }
0x8a: {  	s20 =	sshra.s32 s20, $0x2;
	[tilespmem:v5+s12+$0x0] =	vst.idx.msk vm0, v6  }
0x8b: {  	v4 =	vld [tilespmem:s20+$0x800];
	_ =	sdelay $0x4  }
0x8c: {  	v5 =	vshra.s32 v4, $0x1F  }
0x8d: {  	v5 =	vor.u32 $0x80000000, v5  }
0x8e: {  	v4 =	vxor.u32 v4, v5  }
0x8f: {  	v5 =	vsub.s32 v4, v2  }
0x90: {  	v5 =	vshrl.u32 v5, v3  }
0x91: {  	(xrf1) =	vunique.msk.u32 $0xffff, v5;
	_ =	sdelay $0xd  }
0x92: {  	v8 =	vimm.s32 $0x0;
	_, v6, vm0 =	vpop (xrf1)  }
0x93: {  	v7 =	vsel vm0, $0x100, v8  }
0x94: {  	[tilespmem:s20+$0x1000] =	vst v4;
	v4 =	vadd.s32 v7, v6  }
0x95: {  	[tilespmem:s20+$0x1800] =	vst v5;
	v4 =	vadd.s32 $0xFFFFFFFF, v4  }
0x96: {  	[tilespmem:s20+$0x2000] =	vst v4  }
0x97: {  	v4 =	vld.idx.msk [tilespmem:v5+s12+$0x0], $0xffff;
	_ =	sdelay $0x4  }
0x98: {  	v4 =	vadd.s32 v4, v6  }
0x99: {  	[tilespmem:v5+s12+$0x0] =	vst.idx.msk vm0, v4  }
0x9a: {  	v4 =	vld [tilespmem:s20+$0x810];
	_ =	sdelay $0x4  }
0x9b: {  	v5 =	vshra.s32 v4, $0x1F  }
0x9c: {  	v5 =	vor.u32 $0x80000000, v5  }
0x9d: {  	v4 =	vxor.u32 v4, v5  }
0x9e: {  	v5 =	vsub.s32 v4, v2  }
0x9f: {  	v5 =	vshrl.u32 v5, v3  }
0xa0: {  	(xrf1) =	vunique.msk.u32 $0xffff, v5;
	_ =	sdelay $0xd  }
0xa1: {  	_, v6, vm15 =	vpop (xrf1)  }
0xa2: {  	v7 =	vsel vm15, $0x100, v8  }
0xa3: {  	[tilespmem:s20+$0x1010] =	vst v4;
	v4 =	vadd.s32 v7, v6  }
0xa4: {  	[tilespmem:s20+$0x1810] =	vst v5;
	v4 =	vadd.s32 $0xFFFFFFFF, v4  }
0xa5: {  	[tilespmem:s20+$0x2010] =	vst v4  }
0xa6: {  	v4 =	vld.idx.msk [tilespmem:v5+s12+$0x0], $0xffff;
	_ =	sdelay $0x4  }
0xa7: {  	v4 =	vadd.s32 v4, v6  }
0xa8: {  	[tilespmem:v5+s12+$0x0] =	vst.idx.msk vm15, v4  }
0xa9: {  	v5 =	vld [tilespmem:s19+$0x2800]  }
0xaa: {  	v9 =	vld [tilespmem:s19+$0x2810];
	_ =	sdelay $0x3  }
0xab: {  	s21 =	simm.s32 $0x20;
	(xrf0) =	vadd.scan.msk.s32 $0xffff, v5  }
0xac: {  	v7 =	vld [tilespmem:s21+$0x2800];
	(xrf0) =	vadd.scan.msk.s32 $0xffff, v9  }
0xad: {  	v4 =	vld [tilespmem:s21+$0x2810];
	_ =	sdelay $0x3  }
0xae: {  	s20 =	simm.s32 $0x40;
	v10, _, _ =	vpop (xrf0);
	(xrf0) =	vadd.scan.msk.s32 $0xffff, v7  }
0xaf: {  	v6 =	vld [tilespmem:s20+$0x2800];
	v5 =	vsub.s32 v8, v5;
	v11 =	vbroadcast v10, $0xF;
	v12, _, _ =	vpop (xrf0);
	(xrf0) =	vadd.scan.msk.s32 $0xffff, v4  }
0xb0: {  	v10 =	vadd.s32 v10, v5;
	v5 =	vld [tilespmem:s20+$0x2810];
	v13 =	vbroadcast v12, $0xF  }
0xb1: {  	v9 =	vsub.s32 v12, v9;
	v8 =	vadd.s32 v8, v11  }
0xb2: {  	s22 =	simm.s32 $0x180;
	[tilespmem:s19+$0x4800] =	vst v10;
	v9 =	vadd.s32 v8, v9;
	v8 =	vadd.s32 v8, v13  }
.LBB2_9:
0xb3: {  	p0 =	sne.s32 s22, $0x3F80;
	v10 =	vsub.s32 v8, v7;
	[tilespmem:s19+$0x4810] =	vst v9;
	s19 =	smov.u32 s22;
	s22 =	sadd.s32 $0x80, s22  }
.Ltmp7:
0xb4: {  	s23 =	sshra.s32 s19, $0x2;
	(xrf0) =	vadd.scan.msk.s32 $0xffff, v6;
	v9, _, _ =	vpop (xrf0);
	v7 =	vmov v6;
	s19 =	smov.u32 s21;
	(pc) =	sbr.rel @p0 .LBB2_9-.Ltmp7, $4  }
0xb5: {  	s21 =	smov.u32 s20;
	v6 =	vld [tilespmem:s23+$0x2800];
	(xrf0) =	vadd.scan.msk.s32 $0xffff, v5;
	v10 =	vadd.s32 v9, v10;
	v9 =	vbroadcast v9, $0xF;
	v11, _, _ =	vpop (xrf0);
	s20 =	smov.u32 s23  }
0xb6: {  	[tilespmem:s19+$0x4800] =	vst v10;
	v10 =	vsub.s32 v11, v4;
	v11 =	vbroadcast v11, $0xF;
	v4 =	vmov v5;
	v5 =	vld [tilespmem:s20+$0x2810]  }
0xb7: {  	v8 =	vadd.s32 v8, v9  }
0xb8: {  	v9 =	vadd.s32 v8, v10;
	v8 =	vadd.s32 v8, v11  }
0xb9: {  	_ = 	snop  }
0xba: {  	(xrf0) =	vadd.scan.msk.s32 $0xffff, v6;
	_ =	sdelay $0x1  }
0xbb: {  	(xrf0) =	vadd.scan.msk.s32 $0xffff, v5  }
0xbc: {  	v10, _, _ =	vpop (xrf0)  }
0xbd: {  	v11 =	vbroadcast v10, $0xF;
	v12, _, _ =	vpop (xrf0)  }
0xbe: {  	v7 =	vsub.s32 v8, v7;
	v13 =	vbroadcast v12, $0xF  }
0xbf: {  	v7 =	vadd.s32 v10, v7;
	v57 =	vadd.s32 v8, v11;
	v58, _, _ =	vpop (xrf0)  }
0xc0: {  	[tilespmem:s19+$0x4810] =	vst v9;
	v4 =	vsub.s32 v12, v4;
	v59 =	vadd.s32 v57, v13;
	v60 =	vbroadcast v58, $0xF  }
0xc1: {  	[tilespmem:s21+$0x4800] =	vst v7;
	v4 =	vadd.s32 v57, v4;
	v61 =	vsub.s32 v59, v6;
	v62, _, _ =	vpop (xrf0)  }
0xc2: {  	[tilespmem:s21+$0x4810] =	vst v4;
	v4 =	vadd.s32 v58, v61;
	v5 =	vsub.s32 v62, v5;
	v63 =	vadd.s32 v59, v60  }
0xc3: {  	[tilespmem:s20+$0x4800] =	vst v4;
	v4 =	vadd.s32 v63, v5  }
0xc4: {  	s19 =	simm.s32 $0x0;
	[tilespmem:s20+$0x4810] =	vst v4;
	s20 =	simm.s32 $0x0  }
.LBB2_11:
0xc5: {  	s21 =	sshra.s32 s20, $0x2  }
0xc6: {  	v4 =	vld [tilespmem:s21+$0x1800];
	_ =	sdelay $0x6  }
0xc7: {  	v5 =	vld [tilespmem:s21+$0x2000]  }
0xc8: {  	v6 =	vld.idx.msk [tilespmem:v4+s13+$0x0], $0xffff  }
0xc9: {  	v7 =	vld.idx.msk [tilespmem:v4+s14+$0x0], $0xffff;
	_ =	sdelay $0x2  }
0xca: {  	v8 =	vand.u32 $0xFF, v5  }
0xcb: {  	v6 =	vadd.s32 v8, v6  }
0xcc: {  	vm0 =	vgt.s32 v5, $0xFF;
	v5 =	vld [tilespmem:s21+$0x1000];
	v7 =	vadd.s32 v7, v6;
	_ =	sdelay $0x4  }
0xcd: {  	[tilespmem:v7+s15+$0x0] =	vst.idx.msk $0xffff, v5;
	v5 =	vadd.s32 $0x1, v6  }
0xce: {  	[tilespmem:v4+s13+$0x0] =	vst.idx.msk vm0, v5  }
0xcf: {  	v4 =	vld [tilespmem:s21+$0x1810];
	_ =	sdelay $0x6  }
0xd0: {  	v5 =	vld [tilespmem:s21+$0x2010]  }
0xd1: {  	v6 =	vld.idx.msk [tilespmem:v4+s13+$0x0], $0xffff  }
0xd2: {  	v7 =	vld.idx.msk [tilespmem:v4+s14+$0x0], $0xffff;
	_ =	sdelay $0x2  }
0xd3: {  	v63 =	vand.u32 $0xFF, v5  }
0xd4: {  	v6 =	vadd.s32 v63, v6  }
0xd5: {  	vm15 =	vgt.s32 v5, $0xFF;
	v5 =	vld [tilespmem:s21+$0x1010];
	v7 =	vadd.s32 v7, v6  }
0xd6: {  	p0 =	sne.s32 s20, $0x1F80  }
.Ltmp8:
0xd7: {  	_ = 	snop;
	(pc) =	sbr.rel @p0 .LBB2_11-.Ltmp8, $3  }
0xd8: {  	_ =	sdelay $0x1  }
0xd9: {  	[tilespmem:v7+s15+$0x0] =	vst.idx.msk $0xffff, v5;
	v5 =	vadd.s32 $0x1, v6  }
0xda: {  	s20 =	sadd.s32 $0x80, s20;
	[tilespmem:v4+s13+$0x0] =	vst.idx.msk vm15, v5;
	v4 =	vimm.s32 $0x0  }
.Ltmp9:
0xdb: {  	(pc) =	sbr.rel .LBB2_13-.Ltmp9, $2  }
0xdc: {  	_ =	sdelay $0x2  }
0xdd: {  	v5 =	vimm.s32 $0x0  }
.LBB2_15:
0xde: {  	v20 =	vimm.s32 $0x0;
	v9 =	vmov v14;
	v10 =	vmov v15  }
.LBB2_22:
0xdf: {  	_ =	sdelay $0x3  }
0xe0: {  	v13 =	vadd.s32 @p1 v22, v20;
	v16 =	vsel @p1 vm0, $0x1, v0;
	vm0 =	vlt.s32 @p0 v15, v7;
	v12 =	vld.idx.msk [tilespmem:v12+s15+$0x0], $0xffff  }
0xe1: {  	vm1 =	vlt.u32 @p0 v23, v6;
	vm2 =	vlt.s32 @p0 v14, v7;
	v11 =	vld.idx.msk [tilespmem:v11+s15+$0x0], $0xffff;
	vm12 =	vlt.s32 v9, v7  }
0xe2: {  	vm13 =	vlt.s32 v10, v7;
	vm0 =	vmand @p0 vm0, vm1;
	vm1 =	vlt.u32 @p0 v21, v6  }
0xe3: {  	v13 =	vadd.s32 @p1 v16, v13;
	v14 =	vsel @p0 vm0, $0x1, v0;
	vm0 =	vmand @p0 vm2, vm1  }
0xe4: {  	v13 =	vpsel p1, v13, v4;
	v14 =	vpsel p0, v14, v0;
	vm0 =	vmmov @p0 vm0  }
0xe5: {  	v13 =	vadd.s32 @p0 v14, v13;
	v14 =	vsel @p0 vm0, $0x1, v0;
	vm14 =	vlt.u32 v12, v6  }
0xe6: {  	v7 =	vadd.s32 @p0 v14, v13;
	vm15 =	vlt.u32 v11, v6;
	vm1 =	vmand vm13, vm14  }
0xe7: {  	vm0 =	vmand vm12, vm15;
	v7 =	vpsel p0, v7, v4;
	v6 =	vsel vm1, $0x1, v0  }
0xe8: {  	v6 =	vadd.s32 v6, v7;
	v7 =	vsel vm0, $0x1, v0  }
0xe9: {  	v9 =	vadd.s32 v7, v6  }
.LBB2_23:
0xea: {  	s19 =	sadd.s32 $0x1, s19  }
0xeb: {  	p0 =	sne.s32 s19, $0x80  }
.Ltmp10:
0xec: {  	_ = 	snop;
	(pc) =	sbr.rel @!p0 .LBB2_24-.Ltmp10, $3  }
0xed: {  	_ =	sdelay $0x1  }
0xee: {  	v5 =	vadd.s32 v5, v8  }
0xef: {  	v5 =	vadd.s32 v9, v5  }
.LBB2_13:
0xf0: {  	s20 =	sshll.u32 s19, $0x4  }
0xf1: {  	s20 =	sand.u32 $0x3FFFFFF0, s20  }
0xf2: {  	v6 =	vld [tilespmem:s20+$0x0];
	_ =	sdelay $0x4  }
0xf3: {  	v7 =	vshra.s32 v6, $0x1F  }
0xf4: {  	v7 =	vor.u32 $0x80000000, v7  }
0xf5: {  	v6 =	vxor.u32 v6, v7  }
0xf6: {  	v7 =	vsub.s32 v6, v2  }
0xf7: {  	v8 =	vshrl.u32 v7, v3;
	_ =	sdelay $0x4  }
0xf8: {  	v7 =	vld.idx.msk [tilespmem:v8+s12+$0x0], $0xffff;
	_ =	sdelay $0x4  }
0xf9: {  	v9 =	vxor.u32 $0x80000000, v7  }
0xfa: {  	(xrf0) =	vmax.scan.msk.u32 $0xffff, v9;
	_ =	sdelay $0x5  }
0xfb: {  	v9, _, _ =	vpop (xrf0)  }
0xfc: {  	(v2sf) =	vpush v9, $0xF;
	_ =	sdelay $0xe  }
0xfd: {  	s29 =	spop (v2sf)  }
0xfe: {  	s20 =	simm.s32 $0x1;
	s21 =	sadd.s32 $0x80000001, s29;
	p0 =	slt.s32 s29, $0xFFFFFFFF  }
0xff: {  	s20 =	simm.s32 @!p0 $0x0;
	s22 =	sshra.s32 s21, $0x1F  }
0x100: {  	s30 =	sand.u32 $0x1, s21;
	s20 =	sadd.s32 s20, s22  }
0x101: {  	p1 =	seq.s32 s30, $0x1;
	p6 =	sne.s32 s20, $0x1  }
0x102: {  	s31 =	sshrl.u32 s21, $0x1F;
	p0 =	por !p6, !p1  }
0x103: {  	s20 =	sadd.s32 s31, s21;
	s21 =	simm.s32 $0x1;
	p0 =	por !p0, !p0  }
0x104: {  	s20 =	sshra.s32 s20, $0x1;
	s21 =	simm.s32 @!p0 $0x0  }
0x105: {  	s20 =	ssub.s32 s20, s21  }
0x106: {  	p0 =	slt.s32 s20, $0x1  }
.Ltmp11:
0x107: {  	_ = 	snop;
	(pc) =	sbr.rel @p0 .LBB2_23-.Ltmp11, $2  }
0x108: {  	_ =	sdelay $0x2  }
0x109: {  	v8 =	vld.idx.msk [tilespmem:v8+s14+$0x0], $0xffff;
	v9 =	vimm.s32 $0x0  }
0x10a: {  	v9 =	vadd.s32 $0xFFFFFFFF, v7;
	p2 =	sne.s32 s20, $0x1  }
.Ltmp12:
0x10b: {  	s21 =	simm.s32 $0x1;
	s22 =	simm.s32 $0x0;
	vm0 =	vgt.s32 v9, $0x0;
	(pc) =	sbr.rel @!p2 .LBB2_15-.Ltmp12, $4  }
0x10c: {  	v14 =	vmov s21;
	v15 =	vmov s22;
	v13 =	vnsel vm0, $0x0, v9  }
0x10d: {  	vm0 =	vlt.s32 v15, v13;
	vm1 =	vlt.s32 v14, v13  }
0x10e: {  	s20 =	sadd.s32 $0xFFFFFFFF, s20;
	v9 =	vsel vm0, s22, v13;
	v10 =	vsel vm1, s21, v13  }
0x10f: {  	p0 =	por $0x0, $0x0;
	p1 =	por $0x0, $0x0;
	s21 =	simm.s32 $0x3;
	v12 =	vadd.s32 v8, v9;
	v11 =	vadd.s32 v8, v10  }
0x110: {  	p2 =	sne.s32 s20, $0x1  }
.Ltmp13:
0x111: {  	s22 =	simm.s32 $0x2;
	(pc) =	sbr.rel @!p2 .LBB2_17-.Ltmp13, $4  }
0x112: {  	v9 =	vmov s21;
	v10 =	vmov s22  }
0x113: {  	vm1 =	vlt.s32 v9, v13;
	vm0 =	vlt.s32 v10, v13  }
0x114: {  	v23 =	vld.idx.msk [tilespmem:v12+s15+$0x0], $0xffff;
	v16 =	vsel vm1, s21, v13;
	v12 =	vsel vm0, s22, v13  }
0x115: {  	v21 =	vld.idx.msk [tilespmem:v11+s15+$0x0], $0xffff;
	s20 =	sadd.s32 $0xFFFFFFFF, s20;
	p0 =	por $0x1, $0x1;
	s21 =	simm.s32 $0x5;
	v11 =	vadd.s32 v8, v16;
	v12 =	vadd.s32 v8, v12  }
0x116: {  	s22 =	simm.s32 $0x4;
	v16 =	vmov s21;
	p2 =	sne.s32 s20, $0x1  }
.Ltmp14:
0x117: {  	vm0 =	vlt.s32 v14, v7;
	vm3 =	vlt.s32 v15, v7;
	v17 =	vmov s22;
	(pc) =	sbr.rel @!p2 .LBB2_19-.Ltmp14, $4  }
0x118: {  	v20 =	vimm.s32 $0x0;
	vm2 =	vlt.s32 v16, v13;
	vm1 =	vlt.s32 v17, v13  }
0x119: {  	v15 =	vsel vm2, s21, v13;
	v14 =	vsel vm1, s22, v13;
	vm1 =	vlt.u32 v23, v6  }
0x11a: {  	v18 =	vld.idx.msk [tilespmem:v12+s15+$0x0], $0xffff;
	v12 =	vadd.s32 v8, v14;
	vm1 =	vmand vm3, vm1;
	vm2 =	vlt.u32 v21, v6  }
0x11b: {  	v19 =	vld.idx.msk [tilespmem:v11+s15+$0x0], $0xffff;
	s20 =	sadd.s32 $0xFFFFFFFF, s20;
	p1 =	por $0x1, $0x1;
	s21 =	simm.s32 $0x7;
	v11 =	vadd.s32 v8, v15;
	v22 =	vsel vm1, $0x1, v0;
	vm0 =	vmand vm0, vm2  }
.LBB2_20:
0x11c: {  	s22 =	sadd.s32 $0xFFFFFFFF, s21;
	v14 =	vmov s21;
	p2 =	sne.s32 s20, $0x1;
	s20 =	sadd.s32 $0xFFFFFFFF, s20;
	v15 =	vadd.s32 v22, v20;
	v20 =	vsel vm0, $0x1, v0  }
.Ltmp15:
0x11d: {  	vm0 =	vlt.s32 v9, v7;
	v9 =	vmovc v16;
	v21 =	vmov s22;
	v20 =	vadd.s32 v20, v15;
	v16 =	vmovc v14;
	(pc) =	sbr.rel @p2 .LBB2_20-.Ltmp15, $4  }
0x11e: {  	vm3 =	vlt.s32 v10, v7;
	v10 =	vmovc v17;
	vm1 =	vlt.s32 v21, v13;
	vm2 =	vlt.s32 v16, v13  }
0x11f: {  	v17 =	vmovc v21;
	v14 =	vsel vm1, s22, v13;
	v15 =	vsel vm2, s21, v13;
	vm1 =	vlt.u32 v18, v6;
	v18 =	vld.idx.msk [tilespmem:v12+s15+$0x0], $0xffff  }
0x120: {  	vm2 =	vlt.u32 v19, v6;
	v12 =	vadd.s32 v8, v14;
	vm1 =	vmand vm3, vm1;
	v19 =	vld.idx.msk [tilespmem:v11+s15+$0x0], $0xffff  }
0x121: {  	s21 =	sadd.s32 $0x2, s21;
	v11 =	vadd.s32 v8, v15;
	vm0 =	vmand vm0, vm2;
	v22 =	vsel vm1, $0x1, v0  }
.Ltmp16:
0x122: {  	(pc) =	sbr.rel .LBB2_22-.Ltmp16, $3  }
0x123: {  	_ =	sdelay $0x1  }
0x124: {  	v14 =	vmov v9  }
0x125: {  	v15 =	vmovc v10;
	v9 =	vmovc v16;
	v10 =	vmov v17;
	v23 =	vmov v18;
	v21 =	vmov v19  }
.LBB2_17:
.Ltmp17:
0x126: {  	(pc) =	sbr.rel .LBB2_22-.Ltmp17, $2  }
0x127: {  	_ =	sdelay $0x2  }
0x128: {  	v20 =	vimm.s32 $0x0  }
.LBB2_19:
.Ltmp18:
0x129: {  	_ = 	snop;
	(pc) =	sbr.rel .LBB2_22-.Ltmp18, $3  }
0x12a: {  	_ =	sdelay $0x1  }
0x12b: {  	v14 =	vmov v9;
	v15 =	vmov v10  }
0x12c: {  	v20 =	vimm.s32 $0x0;
	v9 =	vmovc v16;
	v10 =	vmovc v17;
	v23 =	vmov v18;
	v21 =	vmov v19  }
.LBB2_26:
0x12d: {  	_ =	sfence.sel $0x180000  }
0x12e: {  	[bflag:$0x0] =	sbarrier.arrive $0xFFFF  }
0x12f: {  	p0 =	sne.s32 s1, $0x0;
	_ =	strace $0x90000047  }
0x130: {  	s0 =	sadd.s32 @!p0 $0x100000, s0;
	[bflag:$0x2] =	sbarrier.arrive $0xFFFF  }
0x131: {  	[sflag:s0] =	ssyncadd.tile.s32 @!p0 $0x1;
	_ =	shalt  }
.Lfunc_end2:
_tile_overlayer_lowered:
.L_overlay_start_2:
0x132: {  	(tag) =	ssettag $0x2  }
0x133: {  	s0 =	rddreg [dreg:$0x0];
	s2 =	stileid.u32  }
0x134: {  	s1 =	rddreg [dreg:$0x1];
	p0 =	sne.s32 s2, $0x0  }
0x135: {  	s3 =	rddreg [dreg:$0x2];
	[bflag:$0x3] =	sbarrier.arrive $0xFFFF;
	s2 =	simm.s32 @!p0 $0x1C01  }
0x136: {  	[timem:s3], [sflag:s2] =	dma.local @!p0 [hbm:s0], s1  }
0x137: {  	s0 =	simm.s32 @!p0 $0x1  }
0x138: {  	_ =	swait.ge @!p0 [sflag:s0], s1  }
0x139: {  	s1 =	ssub.s32 @!p0 $0x0, s1;
	[sflag:s0] =	ssyncset.done @!p0 $0x0  }
0x13a: {  	[sflag:s0] =	ssyncadd.s32 @!p0 s1  }
0x13b: {  	[bflag:$0x3] =	sbarrier.arrive $0xFFFF  }
0x13c: {  	_ =	shalt  }

</sc_bundles>
